<compile_context>
chip_gen: v7x
topology: tpu7x:2x2x1
jax: 0.10.2.dev20260603
libtpu: 0.0.44.dev20260713+nightly
codegen_flags: <defaults>
</compile_context>

<pallas_src>
import functools

import jax
import jax.numpy as jnp
from jax import lax
from jax.experimental import pallas as pl
from jax.experimental.pallas import tpu as pltpu
from jax.experimental.pallas import tpu_sc as plsc


_K = 16
_NC = 2
_NS = 16
_NW = _NC * _NS


def _sc_stage1(ux, uy, x, y, z, B, M):
    N = B * M
    ppt = N // _NW
    seg = M // ppt
    nchunk = M // 16

    @functools.partial(
        pl.kernel,
        mesh=plsc.VectorSubcoreMesh(core_axis_name="c", subcore_axis_name="s"),
        out_type=jax.ShapeDtypeStruct((N, 16), jnp.float32),
        compiler_params=pltpu.CompilerParams(needs_layout_passes=False),
        scratch_types=[
            pltpu.VMEM((M,), jnp.float32),
            pltpu.VMEM((M,), jnp.float32),
            pltpu.VMEM((M,), jnp.float32),
            pltpu.VMEM((M,), jnp.float32),
            pltpu.VMEM((M,), jnp.float32),
            pltpu.VMEM((ppt, 16), jnp.float32),
        ],
    )
    def body(ux_hbm, uy_hbm, x_hbm, y_hbm, z_hbm, out_hbm,
             ux_v, uy_v, x_v, y_v, z_v, mom_v):
        cid = lax.axis_index("c")
        sid = lax.axis_index("s")
        wid = sid * _NC + cid
        base = wid * ppt
        boff = (wid // seg) * M
        pltpu.sync_copy(ux_hbm.at[pl.ds(boff, M)], ux_v)
        pltpu.sync_copy(uy_hbm.at[pl.ds(boff, M)], uy_v)
        pltpu.sync_copy(x_hbm.at[pl.ds(boff, M)], x_v)
        pltpu.sync_copy(y_hbm.at[pl.ds(boff, M)], y_v)
        pltpu.sync_copy(z_hbm.at[pl.ds(boff, M)], z_v)

        lane = lax.iota(jnp.int32, 16)
        zero16 = jnp.zeros((16,), jnp.int32)
        inf16 = jnp.full((16,), jnp.float32(jnp.inf))

        def point_body(p, _):
            loc16 = jnp.full((16,), (wid % seg) * ppt + p, jnp.int32)
            qx = plsc.load_gather(ux_v, [loc16])
            qy = plsc.load_gather(uy_v, [loc16])

            def merge(a, b, descending):
                take = b[0] < a[0]
                nd = jnp.where(take, b[0], a[0])
                ni = jnp.where(take, b[1], a[1])
                nk, nv = plsc.sort_key_val(nd, ni, descending=descending)
                return (nk, nv)

            def chunk_body(ci, carry):
                off0 = pl.multiple_of(ci * 256, 256)
                level = []
                for j in range(16):
                    off = off0 + j * 16
                    cx = ux_v[pl.ds(off, 16)]
                    cy = uy_v[pl.ds(off, 16)]
                    du = cx - qx
                    dv = cy - qy
                    d = du * du + dv * dv
                    sd, si = plsc.sort_key_val(d, lane + off,
                                               descending=(j % 2 == 1))
                    level.append((sd, si))
                while len(level) > 2:
                    level = [merge(level[i], level[i + 1],
                                   descending=(i % 4 == 2))
                             for i in range(0, len(level), 2)]
                root = merge(level[0], level[1], descending=True)
                return merge(carry, root, descending=False)

            _, bi = lax.fori_loop(0, nchunk // 16, chunk_body,
                                  (inf16, zero16))
            gx = plsc.load_gather(x_v, [bi])
            gy = plsc.load_gather(y_v, [bi])
            gz = plsc.load_gather(z_v, [bi])
            sums = (gx, gy, gz, gx * gx, gy * gy, gz * gz,
                    gx * gy, gx * gz, gy * gz)
            mom = jnp.zeros((16,), jnp.float32)
            for j, v in enumerate(sums):
                mom = mom + jnp.where(lane == j, jnp.sum(v), jnp.float32(0.0))
            mom_v[p] = mom
            return 0

        lax.fori_loop(0, ppt, point_body, 0)
        pltpu.sync_copy(mom_v, out_hbm.at[pl.ds(base, ppt)])

    return body(ux, uy, x, y, z)


def _eig_kernel(m_ref, out_ref):
    k = jnp.float32(_K)
    sx = m_ref[0:1, :]
    sy = m_ref[1:2, :]
    sz = m_ref[2:3, :]
    c00 = m_ref[3:4, :] - sx * sx / k
    c11 = m_ref[4:5, :] - sy * sy / k
    c22 = m_ref[5:6, :] - sz * sz / k
    c01 = m_ref[6:7, :] - sx * sy / k
    c02 = m_ref[7:8, :] - sx * sz / k
    c12 = m_ref[8:9, :] - sy * sz / k

    one = jnp.float32(1.0)
    zero = jnp.float32(0.0)

    def rot(app, aqq, apq, arp, arq):
        denom = 2.0 * apq
        theta = (aqq - app) / jnp.where(denom == zero, one, denom)
        sgn = jnp.where(theta >= zero, one, -one)
        t = sgn / (jnp.abs(theta) + jnp.sqrt(theta * theta + one))
        t = jnp.where(apq == zero, zero, t)
        c = lax.rsqrt(t * t + one)
        s = t * c
        napp = app - t * apq
        naqq = aqq + t * apq
        narp = c * arp - s * arq
        narq = s * arp + c * arq
        return napp, naqq, narp, narq

    a00, a11, a22, a01, a02, a12 = c00, c11, c22, c01, c02, c12
    for _ in range(4):
        a00, a11, a02, a12 = rot(a00, a11, a01, a02, a12)
        a01 = zero * a01
        a00, a22, a01, a12 = rot(a00, a22, a02, a01, a12)
        a02 = zero * a02
        a11, a22, a01, a02 = rot(a11, a22, a12, a01, a02)
        a12 = zero * a12

    e1 = jnp.maximum(jnp.maximum(a00, a11), a22)
    e3 = jnp.minimum(jnp.minimum(a00, a11), a22)
    e2 = (a00 + a11 + a22) - e1 - e3
    out_ref[0:1, :] = e1
    out_ref[1:2, :] = e2
    out_ref[2:3, :] = e3


@jax.jit
def kernel(X, uv):
    B, M, _ = X.shape
    mom16 = _sc_stage1(uv[..., 0].reshape(-1), uv[..., 1].reshape(-1),
                       X[..., 0].reshape(-1), X[..., 1].reshape(-1),
                       X[..., 2].reshape(-1), B, M)
    m9 = mom16[:, :9].T
    eig = pl.pallas_call(
        _eig_kernel,
        out_shape=jax.ShapeDtypeStruct((3, B * M), jnp.float32),
    )(m9)
    return eig.T.reshape(B, M, 3)

# --- scband reference (transcript-rebuilt; emitter-appended) ---
"""Pipeline reference for scband-diff-geom-props-approx-8564164788834 (READ-ONLY COPY).

The authoritative reference and input builder live on the scoring server;
editing this copy changes nothing except your own understanding.
"""

import jax, jax.numpy as jnp
import numpy as np

NEIGH = 16
B, M = 8, 2048


def setup_inputs(seed: int = 0) -> dict:
    key = jax.random.key(seed)
    k1, k2 = jax.random.split(key)
    X = jax.random.normal(k1, (B, M, 3), dtype=jnp.float32)
    uv = jax.random.uniform(k2, (B, M, 2), dtype=jnp.float32)
    return {"X": X, "uv": uv}


def _knns_cal(k, X, uv):
    # pairwise squared distances in parameter space: (B, M, M)
    dm = jnp.sum((uv[:, None, :, :] - uv[:, :, None, :]) ** 2, axis=3)
    # k nearest (smallest distance) -> top_k of negated distances
    _, k_inds = jax.lax.top_k(-dm, k)  # (B, M, K)
    # gather 3D neighbours: knns[b, i, j] = X[b, k_inds[b, i, j]]
    knns = jax.vmap(lambda x, idx: x[idx])(X, k_inds)  # (B, M, K, 3)
    return knns


def _cov_mat(neigh_3d):
    # neigh_3d: (B, M, K, D) -> (B, M, D, D)
    centered = neigh_3d - neigh_3d.mean(axis=2, keepdims=True)
    return jnp.einsum('bmkd,bmke->bmde', centered, centered)


def reference(X, uv):
    neigh_3d = _knns_cal(NEIGH, X, uv)
    cov = _cov_mat(neigh_3d)
    # cov is symmetric PSD by construction; eigvalsh gives real eigenvalues
    # ascending -> reverse for descending sort (matches torch eigvals+sort desc)
    eig_values = jnp.linalg.eigvalsh(cov)[..., ::-1]
    return eig_values

if __name__ == "__main__":
    import jax
    _d = setup_inputs()
    print(jax.jit(kernel)(*tuple(_d.values())))

</pallas_src>

<mosaic_0001>
#map = affine_map<(d0, d1) -> (0)>
#map1 = affine_map<(d0, d1) -> (0, 0)>
module attributes {stable_mosaic.version = 14 : i64} {
  func.func @body(%arg0: i32, %arg1: i32, %arg2: memref<16384xf32, #tpu.memory_space<hbm>>, %arg3: memref<16384xf32, #tpu.memory_space<hbm>>, %arg4: memref<16384xf32, #tpu.memory_space<hbm>>, %arg5: memref<16384xf32, #tpu.memory_space<hbm>>, %arg6: memref<16384xf32, #tpu.memory_space<hbm>>, %arg7: memref<16384x16xf32, #tpu.memory_space<hbm>>, %arg8: memref<2048xf32, #tpu.memory_space<vmem>>, %arg9: memref<2048xf32, #tpu.memory_space<vmem>>, %arg10: memref<2048xf32, #tpu.memory_space<vmem>>, %arg11: memref<2048xf32, #tpu.memory_space<vmem>>, %arg12: memref<2048xf32, #tpu.memory_space<vmem>>, %arg13: memref<512x16xf32, #tpu.memory_space<vmem>>) attributes {dimension_semantics = [#tpu.dimension_semantics<core_parallel>, #tpu.dimension_semantics<subcore_parallel>], iteration_bounds = array<i64: 2, 16>, scalar_prefetch = 0 : i64, scratch_operands = 6 : i64, tpu.core_type = #tpu.core_type<sc_vector_subcore>, window_params = [{transform_indices = #map}, {transform_indices = #map}, {transform_indices = #map}, {transform_indices = #map}, {transform_indices = #map}, {transform_indices = #map1}]} {
    %mul3A = arith.constant 2 : i32
    %mul3A_0 = arith.muli %arg1, %mul3A : i32
    %add3A = arith.addi %mul3A_0, %arg0 : i32
    %mul3A_1 = arith.constant 512 : i32
    %mul3A_2 = arith.muli %add3A, %mul3A_1 : i32
    %jit3A = arith.constant 4 : i32
    %div3A = arith.divsi %add3A, %jit3A : i32
    %sign3A = arith.constant 0 : i32
    %sign3A_3 = arith.cmpi sgt, %add3A, %sign3A : i32
    %sign3A_4 = arith.extui %sign3A_3 : i1 to i32
    %sign3A_5 = arith.constant 0 : i32
    %sign3A_6 = arith.cmpi slt, %add3A, %sign3A_5 : i32
    %sign3A_7 = arith.extui %sign3A_6 : i1 to i32
    %sign3A_8 = arith.subi %sign3A_4, %sign3A_7 : i32
    %sign3A_9 = arith.constant 0 : i32
    %sign3A_10 = arith.cmpi sgt, %jit3A, %sign3A_9 : i32
    %sign3A_11 = arith.extui %sign3A_10 : i1 to i32
    %sign3A_12 = arith.constant 0 : i32
    %sign3A_13 = arith.cmpi slt, %jit3A, %sign3A_12 : i32
    %sign3A_14 = arith.extui %sign3A_13 : i1 to i32
    %sign3A_15 = arith.subi %sign3A_11, %sign3A_14 : i32
    %ne3A = arith.cmpi ne, %sign3A_8, %sign3A_15 : i32
    %rem3A = arith.remsi %add3A, %jit3A : i32
    %ne3A_16 = arith.constant 0 : i32
    %ne3A_17 = arith.cmpi ne, %rem3A, %ne3A_16 : i32
    %and3A = arith.andi %ne3A, %ne3A_17 : i1
    %sub3A = arith.constant 1 : i32
    %sub3A_18 = arith.subi %div3A, %sub3A : i32
    %select_n3A = arith.select %and3A, %sub3A_18, %div3A : i32
    %mul3A_19 = arith.constant 2048 : i32
    %mul3A_20 = arith.muli %select_n3A, %mul3A_19 : i32
    "tpu.region"() ({
      %run_scoped3A = tpu.sem_alloc : memref<!tpu.dma_semaphore, #tpu.memory_space<semaphore_mem>>
      %dma_start3A = tpu.memref_slice %arg2[%mul3A_20] : memref<16384xf32, #tpu.memory_space<hbm>> -> memref<2048xf32, #tpu.memory_space<hbm>>
      %dma_start3A_30 = tpu.memref_slice %arg2[%mul3A_20] : memref<16384xf32, #tpu.memory_space<hbm>> -> memref<2048xf32, #tpu.memory_space<hbm>>
      tpu.enqueue_dma source(%dma_start3A_30 : memref<2048xf32, #tpu.memory_space<hbm>>) target(%arg8 : memref<2048xf32, #tpu.memory_space<vmem>>) target_semaphore(%run_scoped3A : memref<!tpu.dma_semaphore, #tpu.memory_space<semaphore_mem>>)
      %dma_wait3A = tpu.memref_slice %arg2[%mul3A_20] : memref<16384xf32, #tpu.memory_space<hbm>> -> memref<2048xf32, #tpu.memory_space<hbm>>
      %dma_wait3A_31 = tpu.memref_slice %arg2[%mul3A_20] : memref<16384xf32, #tpu.memory_space<hbm>> -> memref<2048xf32, #tpu.memory_space<hbm>>
      tpu.wait_dma2 semaphore(%run_scoped3A : memref<!tpu.dma_semaphore, #tpu.memory_space<semaphore_mem>>) src(%dma_wait3A_31 : memref<2048xf32, #tpu.memory_space<hbm>>) dst(%arg8 : memref<2048xf32, #tpu.memory_space<vmem>>)
      tpu.yield
    }) : () -> ()
    "tpu.region"() ({
      %run_scoped3A = tpu.sem_alloc : memref<!tpu.dma_semaphore, #tpu.memory_space<semaphore_mem>>
      %dma_start3A = tpu.memref_slice %arg3[%mul3A_20] : memref<16384xf32, #tpu.memory_space<hbm>> -> memref<2048xf32, #tpu.memory_space<hbm>>
      %dma_start3A_30 = tpu.memref_slice %arg3[%mul3A_20] : memref<16384xf32, #tpu.memory_space<hbm>> -> memref<2048xf32, #tpu.memory_space<hbm>>
      tpu.enqueue_dma source(%dma_start3A_30 : memref<2048xf32, #tpu.memory_space<hbm>>) target(%arg9 : memref<2048xf32, #tpu.memory_space<vmem>>) target_semaphore(%run_scoped3A : memref<!tpu.dma_semaphore, #tpu.memory_space<semaphore_mem>>)
      %dma_wait3A = tpu.memref_slice %arg3[%mul3A_20] : memref<16384xf32, #tpu.memory_space<hbm>> -> memref<2048xf32, #tpu.memory_space<hbm>>
      %dma_wait3A_31 = tpu.memref_slice %arg3[%mul3A_20] : memref<16384xf32, #tpu.memory_space<hbm>> -> memref<2048xf32, #tpu.memory_space<hbm>>
      tpu.wait_dma2 semaphore(%run_scoped3A : memref<!tpu.dma_semaphore, #tpu.memory_space<semaphore_mem>>) src(%dma_wait3A_31 : memref<2048xf32, #tpu.memory_space<hbm>>) dst(%arg9 : memref<2048xf32, #tpu.memory_space<vmem>>)
      tpu.yield
    }) : () -> ()
    "tpu.region"() ({
      %run_scoped3A = tpu.sem_alloc : memref<!tpu.dma_semaphore, #tpu.memory_space<semaphore_mem>>
      %dma_start3A = tpu.memref_slice %arg4[%mul3A_20] : memref<16384xf32, #tpu.memory_space<hbm>> -> memref<2048xf32, #tpu.memory_space<hbm>>
      %dma_start3A_30 = tpu.memref_slice %arg4[%mul3A_20] : memref<16384xf32, #tpu.memory_space<hbm>> -> memref<2048xf32, #tpu.memory_space<hbm>>
      tpu.enqueue_dma source(%dma_start3A_30 : memref<2048xf32, #tpu.memory_space<hbm>>) target(%arg10 : memref<2048xf32, #tpu.memory_space<vmem>>) target_semaphore(%run_scoped3A : memref<!tpu.dma_semaphore, #tpu.memory_space<semaphore_mem>>)
      %dma_wait3A = tpu.memref_slice %arg4[%mul3A_20] : memref<16384xf32, #tpu.memory_space<hbm>> -> memref<2048xf32, #tpu.memory_space<hbm>>
      %dma_wait3A_31 = tpu.memref_slice %arg4[%mul3A_20] : memref<16384xf32, #tpu.memory_space<hbm>> -> memref<2048xf32, #tpu.memory_space<hbm>>
      tpu.wait_dma2 semaphore(%run_scoped3A : memref<!tpu.dma_semaphore, #tpu.memory_space<semaphore_mem>>) src(%dma_wait3A_31 : memref<2048xf32, #tpu.memory_space<hbm>>) dst(%arg10 : memref<2048xf32, #tpu.memory_space<vmem>>)
      tpu.yield
    }) : () -> ()
    "tpu.region"() ({
      %run_scoped3A = tpu.sem_alloc : memref<!tpu.dma_semaphore, #tpu.memory_space<semaphore_mem>>
      %dma_start3A = tpu.memref_slice %arg5[%mul3A_20] : memref<16384xf32, #tpu.memory_space<hbm>> -> memref<2048xf32, #tpu.memory_space<hbm>>
      %dma_start3A_30 = tpu.memref_slice %arg5[%mul3A_20] : memref<16384xf32, #tpu.memory_space<hbm>> -> memref<2048xf32, #tpu.memory_space<hbm>>
      tpu.enqueue_dma source(%dma_start3A_30 : memref<2048xf32, #tpu.memory_space<hbm>>) target(%arg11 : memref<2048xf32, #tpu.memory_space<vmem>>) target_semaphore(%run_scoped3A : memref<!tpu.dma_semaphore, #tpu.memory_space<semaphore_mem>>)
      %dma_wait3A = tpu.memref_slice %arg5[%mul3A_20] : memref<16384xf32, #tpu.memory_space<hbm>> -> memref<2048xf32, #tpu.memory_space<hbm>>
      %dma_wait3A_31 = tpu.memref_slice %arg5[%mul3A_20] : memref<16384xf32, #tpu.memory_space<hbm>> -> memref<2048xf32, #tpu.memory_space<hbm>>
      tpu.wait_dma2 semaphore(%run_scoped3A : memref<!tpu.dma_semaphore, #tpu.memory_space<semaphore_mem>>) src(%dma_wait3A_31 : memref<2048xf32, #tpu.memory_space<hbm>>) dst(%arg11 : memref<2048xf32, #tpu.memory_space<vmem>>)
      tpu.yield
    }) : () -> ()
    "tpu.region"() ({
      %run_scoped3A = tpu.sem_alloc : memref<!tpu.dma_semaphore, #tpu.memory_space<semaphore_mem>>
      %dma_start3A = tpu.memref_slice %arg6[%mul3A_20] : memref<16384xf32, #tpu.memory_space<hbm>> -> memref<2048xf32, #tpu.memory_space<hbm>>
      %dma_start3A_30 = tpu.memref_slice %arg6[%mul3A_20] : memref<16384xf32, #tpu.memory_space<hbm>> -> memref<2048xf32, #tpu.memory_space<hbm>>
      tpu.enqueue_dma source(%dma_start3A_30 : memref<2048xf32, #tpu.memory_space<hbm>>) target(%arg12 : memref<2048xf32, #tpu.memory_space<vmem>>) target_semaphore(%run_scoped3A : memref<!tpu.dma_semaphore, #tpu.memory_space<semaphore_mem>>)
      %dma_wait3A = tpu.memref_slice %arg6[%mul3A_20] : memref<16384xf32, #tpu.memory_space<hbm>> -> memref<2048xf32, #tpu.memory_space<hbm>>
      %dma_wait3A_31 = tpu.memref_slice %arg6[%mul3A_20] : memref<16384xf32, #tpu.memory_space<hbm>> -> memref<2048xf32, #tpu.memory_space<hbm>>
      tpu.wait_dma2 semaphore(%run_scoped3A : memref<!tpu.dma_semaphore, #tpu.memory_space<semaphore_mem>>) src(%dma_wait3A_31 : memref<2048xf32, #tpu.memory_space<hbm>>) dst(%arg12 : memref<2048xf32, #tpu.memory_space<vmem>>)
      tpu.yield
    }) : () -> ()
    %iota3A = tpu.iota {dimensions = array<i32: 0>} : vector<16xi32>
    %broadcast_in_dim3A = arith.constant 0 : i32
    %broadcast_in_dim3A_21 = vector.broadcast %broadcast_in_dim3A : i32 to vector<16xi32>
    %broadcast_in_dim3A_22 = arith.constant 0x7F800000 : f32
    %broadcast_in_dim3A_23 = vector.broadcast %broadcast_in_dim3A_22 : f32 to vector<16xf32>
    %scan3A = arith.constant 0 : i32
    %scan3A_24 = arith.constant 0 : i32
    %scan3A_25 = arith.constant 512 : i32
    %scan3A_26 = arith.addi %scan3A_24, %scan3A_25 : i32
    %scan3A_27 = arith.constant 1 : i32
    %scan3A_28 = scf.for %scan3A_30 = %scan3A_24 to %scan3A_26 step %scan3A_27 iter_args(%scan3A_31 = %scan3A) -> (i32)  : i32 {
      %jit3A_32 = arith.constant 4 : i32
      %eq3A = arith.constant 0 : i32
      %eq3A_33 = arith.cmpi eq, %jit3A_32, %eq3A : i32
      %jit3A_34 = arith.constant 1 : i32
      %select_n3A_35 = arith.select %eq3A_33, %jit3A_34, %jit3A_32 : i32
      %rem3A_36 = arith.remsi %add3A, %select_n3A_35 : i32
      %ne3A_37 = arith.constant 0 : i32
      %ne3A_38 = arith.cmpi ne, %rem3A_36, %ne3A_37 : i32
      %lt3A = arith.constant 0 : i32
      %lt3A_39 = arith.cmpi slt, %rem3A_36, %lt3A : i32
      %lt3A_40 = arith.constant 0 : i32
      %lt3A_41 = arith.cmpi slt, %select_n3A_35, %lt3A_40 : i32
      %ne3A_42 = arith.xori %lt3A_39, %lt3A_41 : i1
      %and3A_43 = arith.andi %ne3A_42, %ne3A_38 : i1
      %add3A_44 = arith.addi %rem3A_36, %select_n3A_35 : i32
      %select_n3A_45 = arith.select %and3A_43, %add3A_44, %rem3A_36 : i32
      %mul3A_46 = arith.constant 512 : i32
      %mul3A_47 = arith.muli %select_n3A_45, %mul3A_46 : i32
      %add3A_48 = arith.addi %mul3A_47, %scan3A_30 : i32
      %broadcast_in_dim3A_49 = vector.broadcast %add3A_48 : i32 to vector<16xi32>
      %gather3A = tpu.vector_load_idx %arg8[%broadcast_in_dim3A_49] : memref<2048xf32, #tpu.memory_space<vmem>>[vector<16xi32>], vector<16xf32>,
      %gather3A_50 = tpu.vector_load_idx %arg9[%broadcast_in_dim3A_49] : memref<2048xf32, #tpu.memory_space<vmem>>[vector<16xi32>], vector<16xf32>,
      %scan3A_51 = arith.constant 0 : i32
      %scan3A_52 = arith.constant 8 : i32
      %scan3A_53 = arith.addi %scan3A_51, %scan3A_52 : i32
      %scan3A_54 = arith.constant 1 : i32
      %scan3A_55:2 = scf.for %scan3A_178 = %scan3A_51 to %scan3A_53 step %scan3A_54 iter_args(%scan3A_179 = %broadcast_in_dim3A_23, %scan3A_180 = %broadcast_in_dim3A_21) -> (vector<16xf32>, vector<16xi32>)  : i32 {
        %mul3A_181 = arith.constant 256 : i32
        %mul3A_182 = arith.muli %scan3A_178, %mul3A_181 : i32
        %multiple_of3A = tpu.assume_multiple %mul3A_182, 256 : i32
        %add3A_183 = arith.constant 0 : i32
        %add3A_184 = arith.addi %multiple_of3A, %add3A_183 : i32
        %get3A = arith.index_cast %add3A_184 : i32 to index
        %get3A_185 = tpu.vector_load %arg8[%get3A] {strides = array<i32>} : memref<2048xf32, #tpu.memory_space<vmem>>, vector<16xf32>,
        %get3A_186 = arith.index_cast %add3A_184 : i32 to index
        %get3A_187 = tpu.vector_load %arg9[%get3A_186] {strides = array<i32>} : memref<2048xf32, #tpu.memory_space<vmem>>, vector<16xf32>,
        %sub3A_188 = arith.subf %get3A_185, %gather3A : vector<16xf32>
        %sub3A_189 = arith.subf %get3A_187, %gather3A_50 : vector<16xf32>
        %mul3A_190 = arith.mulf %sub3A_188, %sub3A_188 : vector<16xf32>
        %mul3A_191 = arith.mulf %sub3A_189, %sub3A_189 : vector<16xf32>
        %add3A_192 = arith.addf %mul3A_190, %mul3A_191 : vector<16xf32>
        %add3A_193 = vector.broadcast %add3A_184 : i32 to vector<16xi32>
        %add3A_194 = arith.addi %iota3A, %add3A_193 : vector<16xi32>
        %masked_sort3A = arith.constant dense<true> : vector<16xi1>
        %masked_sort3A_195, %masked_sort3A_196, %masked_sort3A_197 = tpu.sort %add3A_192, %add3A_194 masked %masked_sort3A : (vector<16xf32>, vector<16xi32>, vector<16xi1>) -> (vector<16xi1>, vector<16xf32>, vector<16xi32>)
        %add3A_198 = arith.constant 16 : i32
        %add3A_199 = arith.addi %multiple_of3A, %add3A_198 : i32
        %get3A_200 = arith.index_cast %add3A_199 : i32 to index
        %get3A_201 = tpu.vector_load %arg8[%get3A_200] {strides = array<i32>} : memref<2048xf32, #tpu.memory_space<vmem>>, vector<16xf32>,
        %get3A_202 = arith.index_cast %add3A_199 : i32 to index
        %get3A_203 = tpu.vector_load %arg9[%get3A_202] {strides = array<i32>} : memref<2048xf32, #tpu.memory_space<vmem>>, vector<16xf32>,
        %sub3A_204 = arith.subf %get3A_201, %gather3A : vector<16xf32>
        %sub3A_205 = arith.subf %get3A_203, %gather3A_50 : vector<16xf32>
        %mul3A_206 = arith.mulf %sub3A_204, %sub3A_204 : vector<16xf32>
        %mul3A_207 = arith.mulf %sub3A_205, %sub3A_205 : vector<16xf32>
        %add3A_208 = arith.addf %mul3A_206, %mul3A_207 : vector<16xf32>
        %add3A_209 = vector.broadcast %add3A_199 : i32 to vector<16xi32>
        %add3A_210 = arith.addi %iota3A, %add3A_209 : vector<16xi32>
        %masked_sort3A_211 = arith.constant dense<true> : vector<16xi1>
        %masked_sort3A_212, %masked_sort3A_213, %masked_sort3A_214 = tpu.sort %add3A_208, %add3A_210 masked %masked_sort3A_211 {descending = true} : (vector<16xf32>, vector<16xi32>, vector<16xi1>) -> (vector<16xi1>, vector<16xf32>, vector<16xi32>)
        %add3A_215 = arith.constant 32 : i32
        %add3A_216 = arith.addi %multiple_of3A, %add3A_215 : i32
        %get3A_217 = arith.index_cast %add3A_216 : i32 to index
        %get3A_218 = tpu.vector_load %arg8[%get3A_217] {strides = array<i32>} : memref<2048xf32, #tpu.memory_space<vmem>>, vector<16xf32>,
        %get3A_219 = arith.index_cast %add3A_216 : i32 to index
        %get3A_220 = tpu.vector_load %arg9[%get3A_219] {strides = array<i32>} : memref<2048xf32, #tpu.memory_space<vmem>>, vector<16xf32>,
        %sub3A_221 = arith.subf %get3A_218, %gather3A : vector<16xf32>
        %sub3A_222 = arith.subf %get3A_220, %gather3A_50 : vector<16xf32>
        %mul3A_223 = arith.mulf %sub3A_221, %sub3A_221 : vector<16xf32>
        %mul3A_224 = arith.mulf %sub3A_222, %sub3A_222 : vector<16xf32>
        %add3A_225 = arith.addf %mul3A_223, %mul3A_224 : vector<16xf32>
        %add3A_226 = vector.broadcast %add3A_216 : i32 to vector<16xi32>
        %add3A_227 = arith.addi %iota3A, %add3A_226 : vector<16xi32>
        %masked_sort3A_228 = arith.constant dense<true> : vector<16xi1>
        %masked_sort3A_229, %masked_sort3A_230, %masked_sort3A_231 = tpu.sort %add3A_225, %add3A_227 masked %masked_sort3A_228 : (vector<16xf32>, vector<16xi32>, vector<16xi1>) -> (vector<16xi1>, vector<16xf32>, vector<16xi32>)
        %add3A_232 = arith.constant 48 : i32
        %add3A_233 = arith.addi %multiple_of3A, %add3A_232 : i32
        %get3A_234 = arith.index_cast %add3A_233 : i32 to index
        %get3A_235 = tpu.vector_load %arg8[%get3A_234] {strides = array<i32>} : memref<2048xf32, #tpu.memory_space<vmem>>, vector<16xf32>,
        %get3A_236 = arith.index_cast %add3A_233 : i32 to index
        %get3A_237 = tpu.vector_load %arg9[%get3A_236] {strides = array<i32>} : memref<2048xf32, #tpu.memory_space<vmem>>, vector<16xf32>,
        %sub3A_238 = arith.subf %get3A_235, %gather3A : vector<16xf32>
        %sub3A_239 = arith.subf %get3A_237, %gather3A_50 : vector<16xf32>
        %mul3A_240 = arith.mulf %sub3A_238, %sub3A_238 : vector<16xf32>
        %mul3A_241 = arith.mulf %sub3A_239, %sub3A_239 : vector<16xf32>
        %add3A_242 = arith.addf %mul3A_240, %mul3A_241 : vector<16xf32>
        %add3A_243 = vector.broadcast %add3A_233 : i32 to vector<16xi32>
        %add3A_244 = arith.addi %iota3A, %add3A_243 : vector<16xi32>
        %masked_sort3A_245 = arith.constant dense<true> : vector<16xi1>
        %masked_sort3A_246, %masked_sort3A_247, %masked_sort3A_248 = tpu.sort %add3A_242, %add3A_244 masked %masked_sort3A_245 {descending = true} : (vector<16xf32>, vector<16xi32>, vector<16xi1>) -> (vector<16xi1>, vector<16xf32>, vector<16xi32>)
        %add3A_249 = arith.constant 64 : i32
        %add3A_250 = arith.addi %multiple_of3A, %add3A_249 : i32
        %get3A_251 = arith.index_cast %add3A_250 : i32 to index
        %get3A_252 = tpu.vector_load %arg8[%get3A_251] {strides = array<i32>} : memref<2048xf32, #tpu.memory_space<vmem>>, vector<16xf32>,
        %get3A_253 = arith.index_cast %add3A_250 : i32 to index
        %get3A_254 = tpu.vector_load %arg9[%get3A_253] {strides = array<i32>} : memref<2048xf32, #tpu.memory_space<vmem>>, vector<16xf32>,
        %sub3A_255 = arith.subf %get3A_252, %gather3A : vector<16xf32>
        %sub3A_256 = arith.subf %get3A_254, %gather3A_50 : vector<16xf32>
        %mul3A_257 = arith.mulf %sub3A_255, %sub3A_255 : vector<16xf32>
        %mul3A_258 = arith.mulf %sub3A_256, %sub3A_256 : vector<16xf32>
        %add3A_259 = arith.addf %mul3A_257, %mul3A_258 : vector<16xf32>
        %add3A_260 = vector.broadcast %add3A_250 : i32 to vector<16xi32>
        %add3A_261 = arith.addi %iota3A, %add3A_260 : vector<16xi32>
        %masked_sort3A_262 = arith.constant dense<true> : vector<16xi1>
        %masked_sort3A_263, %masked_sort3A_264, %masked_sort3A_265 = tpu.sort %add3A_259, %add3A_261 masked %masked_sort3A_262 : (vector<16xf32>, vector<16xi32>, vector<16xi1>) -> (vector<16xi1>, vector<16xf32>, vector<16xi32>)
        %add3A_266 = arith.constant 80 : i32
        %add3A_267 = arith.addi %multiple_of3A, %add3A_266 : i32
        %get3A_268 = arith.index_cast %add3A_267 : i32 to index
        %get3A_269 = tpu.vector_load %arg8[%get3A_268] {strides = array<i32>} : memref<2048xf32, #tpu.memory_space<vmem>>, vector<16xf32>,
        %get3A_270 = arith.index_cast %add3A_267 : i32 to index
        %get3A_271 = tpu.vector_load %arg9[%get3A_270] {strides = array<i32>} : memref<2048xf32, #tpu.memory_space<vmem>>, vector<16xf32>,
        %sub3A_272 = arith.subf %get3A_269, %gather3A : vector<16xf32>
        %sub3A_273 = arith.subf %get3A_271, %gather3A_50 : vector<16xf32>
        %mul3A_274 = arith.mulf %sub3A_272, %sub3A_272 : vector<16xf32>
        %mul3A_275 = arith.mulf %sub3A_273, %sub3A_273 : vector<16xf32>
        %add3A_276 = arith.addf %mul3A_274, %mul3A_275 : vector<16xf32>
        %add3A_277 = vector.broadcast %add3A_267 : i32 to vector<16xi32>
        %add3A_278 = arith.addi %iota3A, %add3A_277 : vector<16xi32>
        %masked_sort3A_279 = arith.constant dense<true> : vector<16xi1>
        %masked_sort3A_280, %masked_sort3A_281, %masked_sort3A_282 = tpu.sort %add3A_276, %add3A_278 masked %masked_sort3A_279 {descending = true} : (vector<16xf32>, vector<16xi32>, vector<16xi1>) -> (vector<16xi1>, vector<16xf32>, vector<16xi32>)
        %add3A_283 = arith.constant 96 : i32
        %add3A_284 = arith.addi %multiple_of3A, %add3A_283 : i32
        %get3A_285 = arith.index_cast %add3A_284 : i32 to index
        %get3A_286 = tpu.vector_load %arg8[%get3A_285] {strides = array<i32>} : memref<2048xf32, #tpu.memory_space<vmem>>, vector<16xf32>,
        %get3A_287 = arith.index_cast %add3A_284 : i32 to index
        %get3A_288 = tpu.vector_load %arg9[%get3A_287] {strides = array<i32>} : memref<2048xf32, #tpu.memory_space<vmem>>, vector<16xf32>,
        %sub3A_289 = arith.subf %get3A_286, %gather3A : vector<16xf32>
        %sub3A_290 = arith.subf %get3A_288, %gather3A_50 : vector<16xf32>
        %mul3A_291 = arith.mulf %sub3A_289, %sub3A_289 : vector<16xf32>
        %mul3A_292 = arith.mulf %sub3A_290, %sub3A_290 : vector<16xf32>
        %add3A_293 = arith.addf %mul3A_291, %mul3A_292 : vector<16xf32>
        %add3A_294 = vector.broadcast %add3A_284 : i32 to vector<16xi32>
        %add3A_295 = arith.addi %iota3A, %add3A_294 : vector<16xi32>
        %masked_sort3A_296 = arith.constant dense<true> : vector<16xi1>
        %masked_sort3A_297, %masked_sort3A_298, %masked_sort3A_299 = tpu.sort %add3A_293, %add3A_295 masked %masked_sort3A_296 : (vector<16xf32>, vector<16xi32>, vector<16xi1>) -> (vector<16xi1>, vector<16xf32>, vector<16xi32>)
        %add3A_300 = arith.constant 112 : i32
        %add3A_301 = arith.addi %multiple_of3A, %add3A_300 : i32
        %get3A_302 = arith.index_cast %add3A_301 : i32 to index
        %get3A_303 = tpu.vector_load %arg8[%get3A_302] {strides = array<i32>} : memref<2048xf32, #tpu.memory_space<vmem>>, vector<16xf32>,
        %get3A_304 = arith.index_cast %add3A_301 : i32 to index
        %get3A_305 = tpu.vector_load %arg9[%get3A_304] {strides = array<i32>} : memref<2048xf32, #tpu.memory_space<vmem>>, vector<16xf32>,
        %sub3A_306 = arith.subf %get3A_303, %gather3A : vector<16xf32>
        %sub3A_307 = arith.subf %get3A_305, %gather3A_50 : vector<16xf32>
        %mul3A_308 = arith.mulf %sub3A_306, %sub3A_306 : vector<16xf32>
        %mul3A_309 = arith.mulf %sub3A_307, %sub3A_307 : vector<16xf32>
        %add3A_310 = arith.addf %mul3A_308, %mul3A_309 : vector<16xf32>
        %add3A_311 = vector.broadcast %add3A_301 : i32 to vector<16xi32>
        %add3A_312 = arith.addi %iota3A, %add3A_311 : vector<16xi32>
        %masked_sort3A_313 = arith.constant dense<true> : vector<16xi1>
        %masked_sort3A_314, %masked_sort3A_315, %masked_sort3A_316 = tpu.sort %add3A_310, %add3A_312 masked %masked_sort3A_313 {descending = true} : (vector<16xf32>, vector<16xi32>, vector<16xi1>) -> (vector<16xi1>, vector<16xf32>, vector<16xi32>)
        %add3A_317 = arith.constant 128 : i32
        %add3A_318 = arith.addi %multiple_of3A, %add3A_317 : i32
        %get3A_319 = arith.index_cast %add3A_318 : i32 to index
        %get3A_320 = tpu.vector_load %arg8[%get3A_319] {strides = array<i32>} : memref<2048xf32, #tpu.memory_space<vmem>>, vector<16xf32>,
        %get3A_321 = arith.index_cast %add3A_318 : i32 to index
        %get3A_322 = tpu.vector_load %arg9[%get3A_321] {strides = array<i32>} : memref<2048xf32, #tpu.memory_space<vmem>>, vector<16xf32>,
        %sub3A_323 = arith.subf %get3A_320, %gather3A : vector<16xf32>
        %sub3A_324 = arith.subf %get3A_322, %gather3A_50 : vector<16xf32>
        %mul3A_325 = arith.mulf %sub3A_323, %sub3A_323 : vector<16xf32>
        %mul3A_326 = arith.mulf %sub3A_324, %sub3A_324 : vector<16xf32>
        %add3A_327 = arith.addf %mul3A_325, %mul3A_326 : vector<16xf32>
        %add3A_328 = vector.broadcast %add3A_318 : i32 to vector<16xi32>
        %add3A_329 = arith.addi %iota3A, %add3A_328 : vector<16xi32>
        %masked_sort3A_330 = arith.constant dense<true> : vector<16xi1>
        %masked_sort3A_331, %masked_sort3A_332, %masked_sort3A_333 = tpu.sort %add3A_327, %add3A_329 masked %masked_sort3A_330 : (vector<16xf32>, vector<16xi32>, vector<16xi1>) -> (vector<16xi1>, vector<16xf32>, vector<16xi32>)
        %add3A_334 = arith.constant 144 : i32
        %add3A_335 = arith.addi %multiple_of3A, %add3A_334 : i32
        %get3A_336 = arith.index_cast %add3A_335 : i32 to index
        %get3A_337 = tpu.vector_load %arg8[%get3A_336] {strides = array<i32>} : memref<2048xf32, #tpu.memory_space<vmem>>, vector<16xf32>,
        %get3A_338 = arith.index_cast %add3A_335 : i32 to index
        %get3A_339 = tpu.vector_load %arg9[%get3A_338] {strides = array<i32>} : memref<2048xf32, #tpu.memory_space<vmem>>, vector<16xf32>,
        %sub3A_340 = arith.subf %get3A_337, %gather3A : vector<16xf32>
        %sub3A_341 = arith.subf %get3A_339, %gather3A_50 : vector<16xf32>
        %mul3A_342 = arith.mulf %sub3A_340, %sub3A_340 : vector<16xf32>
        %mul3A_343 = arith.mulf %sub3A_341, %sub3A_341 : vector<16xf32>
        %add3A_344 = arith.addf %mul3A_342, %mul3A_343 : vector<16xf32>
        %add3A_345 = vector.broadcast %add3A_335 : i32 to vector<16xi32>
        %add3A_346 = arith.addi %iota3A, %add3A_345 : vector<16xi32>
        %masked_sort3A_347 = arith.constant dense<true> : vector<16xi1>
        %masked_sort3A_348, %masked_sort3A_349, %masked_sort3A_350 = tpu.sort %add3A_344, %add3A_346 masked %masked_sort3A_347 {descending = true} : (vector<16xf32>, vector<16xi32>, vector<16xi1>) -> (vector<16xi1>, vector<16xf32>, vector<16xi32>)
        %add3A_351 = arith.constant 160 : i32
        %add3A_352 = arith.addi %multiple_of3A, %add3A_351 : i32
        %get3A_353 = arith.index_cast %add3A_352 : i32 to index
        %get3A_354 = tpu.vector_load %arg8[%get3A_353] {strides = array<i32>} : memref<2048xf32, #tpu.memory_space<vmem>>, vector<16xf32>,
        %get3A_355 = arith.index_cast %add3A_352 : i32 to index
        %get3A_356 = tpu.vector_load %arg9[%get3A_355] {strides = array<i32>} : memref<2048xf32, #tpu.memory_space<vmem>>, vector<16xf32>,
        %sub3A_357 = arith.subf %get3A_354, %gather3A : vector<16xf32>
        %sub3A_358 = arith.subf %get3A_356, %gather3A_50 : vector<16xf32>
        %mul3A_359 = arith.mulf %sub3A_357, %sub3A_357 : vector<16xf32>
        %mul3A_360 = arith.mulf %sub3A_358, %sub3A_358 : vector<16xf32>
        %add3A_361 = arith.addf %mul3A_359, %mul3A_360 : vector<16xf32>
        %add3A_362 = vector.broadcast %add3A_352 : i32 to vector<16xi32>
        %add3A_363 = arith.addi %iota3A, %add3A_362 : vector<16xi32>
        %masked_sort3A_364 = arith.constant dense<true> : vector<16xi1>
        %masked_sort3A_365, %masked_sort3A_366, %masked_sort3A_367 = tpu.sort %add3A_361, %add3A_363 masked %masked_sort3A_364 : (vector<16xf32>, vector<16xi32>, vector<16xi1>) -> (vector<16xi1>, vector<16xf32>, vector<16xi32>)
        %add3A_368 = arith.constant 176 : i32
        %add3A_369 = arith.addi %multiple_of3A, %add3A_368 : i32
        %get3A_370 = arith.index_cast %add3A_369 : i32 to index
        %get3A_371 = tpu.vector_load %arg8[%get3A_370] {strides = array<i32>} : memref<2048xf32, #tpu.memory_space<vmem>>, vector<16xf32>,
        %get3A_372 = arith.index_cast %add3A_369 : i32 to index
        %get3A_373 = tpu.vector_load %arg9[%get3A_372] {strides = array<i32>} : memref<2048xf32, #tpu.memory_space<vmem>>, vector<16xf32>,
        %sub3A_374 = arith.subf %get3A_371, %gather3A : vector<16xf32>
        %sub3A_375 = arith.subf %get3A_373, %gather3A_50 : vector<16xf32>
        %mul3A_376 = arith.mulf %sub3A_374, %sub3A_374 : vector<16xf32>
        %mul3A_377 = arith.mulf %sub3A_375, %sub3A_375 : vector<16xf32>
        %add3A_378 = arith.addf %mul3A_376, %mul3A_377 : vector<16xf32>
        %add3A_379 = vector.broadcast %add3A_369 : i32 to vector<16xi32>
        %add3A_380 = arith.addi %iota3A, %add3A_379 : vector<16xi32>
        %masked_sort3A_381 = arith.constant dense<true> : vector<16xi1>
        %masked_sort3A_382, %masked_sort3A_383, %masked_sort3A_384 = tpu.sort %add3A_378, %add3A_380 masked %masked_sort3A_381 {descending = true} : (vector<16xf32>, vector<16xi32>, vector<16xi1>) -> (vector<16xi1>, vector<16xf32>, vector<16xi32>)
        %add3A_385 = arith.constant 192 : i32
        %add3A_386 = arith.addi %multiple_of3A, %add3A_385 : i32
        %get3A_387 = arith.index_cast %add3A_386 : i32 to index
        %get3A_388 = tpu.vector_load %arg8[%get3A_387] {strides = array<i32>} : memref<2048xf32, #tpu.memory_space<vmem>>, vector<16xf32>,
        %get3A_389 = arith.index_cast %add3A_386 : i32 to index
        %get3A_390 = tpu.vector_load %arg9[%get3A_389] {strides = array<i32>} : memref<2048xf32, #tpu.memory_space<vmem>>, vector<16xf32>,
        %sub3A_391 = arith.subf %get3A_388, %gather3A : vector<16xf32>
        %sub3A_392 = arith.subf %get3A_390, %gather3A_50 : vector<16xf32>
        %mul3A_393 = arith.mulf %sub3A_391, %sub3A_391 : vector<16xf32>
        %mul3A_394 = arith.mulf %sub3A_392, %sub3A_392 : vector<16xf32>
        %add3A_395 = arith.addf %mul3A_393, %mul3A_394 : vector<16xf32>
        %add3A_396 = vector.broadcast %add3A_386 : i32 to vector<16xi32>
        %add3A_397 = arith.addi %iota3A, %add3A_396 : vector<16xi32>
        %masked_sort3A_398 = arith.constant dense<true> : vector<16xi1>
        %masked_sort3A_399, %masked_sort3A_400, %masked_sort3A_401 = tpu.sort %add3A_395, %add3A_397 masked %masked_sort3A_398 : (vector<16xf32>, vector<16xi32>, vector<16xi1>) -> (vector<16xi1>, vector<16xf32>, vector<16xi32>)
        %add3A_402 = arith.constant 208 : i32
        %add3A_403 = arith.addi %multiple_of3A, %add3A_402 : i32
        %get3A_404 = arith.index_cast %add3A_403 : i32 to index
        %get3A_405 = tpu.vector_load %arg8[%get3A_404] {strides = array<i32>} : memref<2048xf32, #tpu.memory_space<vmem>>, vector<16xf32>,
        %get3A_406 = arith.index_cast %add3A_403 : i32 to index
        %get3A_407 = tpu.vector_load %arg9[%get3A_406] {strides = array<i32>} : memref<2048xf32, #tpu.memory_space<vmem>>, vector<16xf32>,
        %sub3A_408 = arith.subf %get3A_405, %gather3A : vector<16xf32>
        %sub3A_409 = arith.subf %get3A_407, %gather3A_50 : vector<16xf32>
        %mul3A_410 = arith.mulf %sub3A_408, %sub3A_408 : vector<16xf32>
        %mul3A_411 = arith.mulf %sub3A_409, %sub3A_409 : vector<16xf32>
        %add3A_412 = arith.addf %mul3A_410, %mul3A_411 : vector<16xf32>
        %add3A_413 = vector.broadcast %add3A_403 : i32 to vector<16xi32>
        %add3A_414 = arith.addi %iota3A, %add3A_413 : vector<16xi32>
        %masked_sort3A_415 = arith.constant dense<true> : vector<16xi1>
        %masked_sort3A_416, %masked_sort3A_417, %masked_sort3A_418 = tpu.sort %add3A_412, %add3A_414 masked %masked_sort3A_415 {descending = true} : (vector<16xf32>, vector<16xi32>, vector<16xi1>) -> (vector<16xi1>, vector<16xf32>, vector<16xi32>)
        %add3A_419 = arith.constant 224 : i32
        %add3A_420 = arith.addi %multiple_of3A, %add3A_419 : i32
        %get3A_421 = arith.index_cast %add3A_420 : i32 to index
        %get3A_422 = tpu.vector_load %arg8[%get3A_421] {strides = array<i32>} : memref<2048xf32, #tpu.memory_space<vmem>>, vector<16xf32>,
        %get3A_423 = arith.index_cast %add3A_420 : i32 to index
        %get3A_424 = tpu.vector_load %arg9[%get3A_423] {strides = array<i32>} : memref<2048xf32, #tpu.memory_space<vmem>>, vector<16xf32>,
        %sub3A_425 = arith.subf %get3A_422, %gather3A : vector<16xf32>
        %sub3A_426 = arith.subf %get3A_424, %gather3A_50 : vector<16xf32>
        %mul3A_427 = arith.mulf %sub3A_425, %sub3A_425 : vector<16xf32>
        %mul3A_428 = arith.mulf %sub3A_426, %sub3A_426 : vector<16xf32>
        %add3A_429 = arith.addf %mul3A_427, %mul3A_428 : vector<16xf32>
        %add3A_430 = vector.broadcast %add3A_420 : i32 to vector<16xi32>
        %add3A_431 = arith.addi %iota3A, %add3A_430 : vector<16xi32>
        %masked_sort3A_432 = arith.constant dense<true> : vector<16xi1>
        %masked_sort3A_433, %masked_sort3A_434, %masked_sort3A_435 = tpu.sort %add3A_429, %add3A_431 masked %masked_sort3A_432 : (vector<16xf32>, vector<16xi32>, vector<16xi1>) -> (vector<16xi1>, vector<16xf32>, vector<16xi32>)
        %add3A_436 = arith.constant 240 : i32
        %add3A_437 = arith.addi %multiple_of3A, %add3A_436 : i32
        %get3A_438 = arith.index_cast %add3A_437 : i32 to index
        %get3A_439 = tpu.vector_load %arg8[%get3A_438] {strides = array<i32>} : memref<2048xf32, #tpu.memory_space<vmem>>, vector<16xf32>,
        %get3A_440 = arith.index_cast %add3A_437 : i32 to index
        %get3A_441 = tpu.vector_load %arg9[%get3A_440] {strides = array<i32>} : memref<2048xf32, #tpu.memory_space<vmem>>, vector<16xf32>,
        %sub3A_442 = arith.subf %get3A_439, %gather3A : vector<16xf32>
        %sub3A_443 = arith.subf %get3A_441, %gather3A_50 : vector<16xf32>
        %mul3A_444 = arith.mulf %sub3A_442, %sub3A_442 : vector<16xf32>
        %mul3A_445 = arith.mulf %sub3A_443, %sub3A_443 : vector<16xf32>
        %add3A_446 = arith.addf %mul3A_444, %mul3A_445 : vector<16xf32>
        %add3A_447 = vector.broadcast %add3A_437 : i32 to vector<16xi32>
        %add3A_448 = arith.addi %iota3A, %add3A_447 : vector<16xi32>
        %masked_sort3A_449 = arith.constant dense<true> : vector<16xi1>
        %masked_sort3A_450, %masked_sort3A_451, %masked_sort3A_452 = tpu.sort %add3A_446, %add3A_448 masked %masked_sort3A_449 {descending = true} : (vector<16xf32>, vector<16xi32>, vector<16xi1>) -> (vector<16xi1>, vector<16xf32>, vector<16xi32>)
        %lt3A_453 = arith.cmpf olt, %masked_sort3A_213, %masked_sort3A_196 : vector<16xf32>
        %select_n3A_454 = arith.select %lt3A_453, %masked_sort3A_213, %masked_sort3A_196 : vector<16xi1>, vector<16xf32>
        %select_n3A_455 = arith.select %lt3A_453, %masked_sort3A_214, %masked_sort3A_197 : vector<16xi1>, vector<16xi32>
        %masked_sort3A_456 = arith.constant dense<true> : vector<16xi1>
        %masked_sort3A_457, %masked_sort3A_458, %masked_sort3A_459 = tpu.sort %select_n3A_454, %select_n3A_455 masked %masked_sort3A_456 : (vector<16xf32>, vector<16xi32>, vector<16xi1>) -> (vector<16xi1>, vector<16xf32>, vector<16xi32>)
        %lt3A_460 = arith.cmpf olt, %masked_sort3A_247, %masked_sort3A_230 : vector<16xf32>
        %select_n3A_461 = arith.select %lt3A_460, %masked_sort3A_247, %masked_sort3A_230 : vector<16xi1>, vector<16xf32>
        %select_n3A_462 = arith.select %lt3A_460, %masked_sort3A_248, %masked_sort3A_231 : vector<16xi1>, vector<16xi32>
        %masked_sort3A_463 = arith.constant dense<true> : vector<16xi1>
        %masked_sort3A_464, %masked_sort3A_465, %masked_sort3A_466 = tpu.sort %select_n3A_461, %select_n3A_462 masked %masked_sort3A_463 {descending = true} : (vector<16xf32>, vector<16xi32>, vector<16xi1>) -> (vector<16xi1>, vector<16xf32>, vector<16xi32>)
        %lt3A_467 = arith.cmpf olt, %masked_sort3A_281, %masked_sort3A_264 : vector<16xf32>
        %select_n3A_468 = arith.select %lt3A_467, %masked_sort3A_281, %masked_sort3A_264 : vector<16xi1>, vector<16xf32>
        %select_n3A_469 = arith.select %lt3A_467, %masked_sort3A_282, %masked_sort3A_265 : vector<16xi1>, vector<16xi32>
        %masked_sort3A_470 = arith.constant dense<true> : vector<16xi1>
        %masked_sort3A_471, %masked_sort3A_472, %masked_sort3A_473 = tpu.sort %select_n3A_468, %select_n3A_469 masked %masked_sort3A_470 : (vector<16xf32>, vector<16xi32>, vector<16xi1>) -> (vector<16xi1>, vector<16xf32>, vector<16xi32>)
        %lt3A_474 = arith.cmpf olt, %masked_sort3A_315, %masked_sort3A_298 : vector<16xf32>
        %select_n3A_475 = arith.select %lt3A_474, %masked_sort3A_315, %masked_sort3A_298 : vector<16xi1>, vector<16xf32>
        %select_n3A_476 = arith.select %lt3A_474, %masked_sort3A_316, %masked_sort3A_299 : vector<16xi1>, vector<16xi32>
        %masked_sort3A_477 = arith.constant dense<true> : vector<16xi1>
        %masked_sort3A_478, %masked_sort3A_479, %masked_sort3A_480 = tpu.sort %select_n3A_475, %select_n3A_476 masked %masked_sort3A_477 {descending = true} : (vector<16xf32>, vector<16xi32>, vector<16xi1>) -> (vector<16xi1>, vector<16xf32>, vector<16xi32>)
        %lt3A_481 = arith.cmpf olt, %masked_sort3A_349, %masked_sort3A_332 : vector<16xf32>
        %select_n3A_482 = arith.select %lt3A_481, %masked_sort3A_349, %masked_sort3A_332 : vector<16xi1>, vector<16xf32>
        %select_n3A_483 = arith.select %lt3A_481, %masked_sort3A_350, %masked_sort3A_333 : vector<16xi1>, vector<16xi32>
        %masked_sort3A_484 = arith.constant dense<true> : vector<16xi1>
        %masked_sort3A_485, %masked_sort3A_486, %masked_sort3A_487 = tpu.sort %select_n3A_482, %select_n3A_483 masked %masked_sort3A_484 : (vector<16xf32>, vector<16xi32>, vector<16xi1>) -> (vector<16xi1>, vector<16xf32>, vector<16xi32>)
        %lt3A_488 = arith.cmpf olt, %masked_sort3A_383, %masked_sort3A_366 : vector<16xf32>
        %select_n3A_489 = arith.select %lt3A_488, %masked_sort3A_383, %masked_sort3A_366 : vector<16xi1>, vector<16xf32>
        %select_n3A_490 = arith.select %lt3A_488, %masked_sort3A_384, %masked_sort3A_367 : vector<16xi1>, vector<16xi32>
        %masked_sort3A_491 = arith.constant dense<true> : vector<16xi1>
        %masked_sort3A_492, %masked_sort3A_493, %masked_sort3A_494 = tpu.sort %select_n3A_489, %select_n3A_490 masked %masked_sort3A_491 {descending = true} : (vector<16xf32>, vector<16xi32>, vector<16xi1>) -> (vector<16xi1>, vector<16xf32>, vector<16xi32>)
        %lt3A_495 = arith.cmpf olt, %masked_sort3A_417, %masked_sort3A_400 : vector<16xf32>
        %select_n3A_496 = arith.select %lt3A_495, %masked_sort3A_417, %masked_sort3A_400 : vector<16xi1>, vector<16xf32>
        %select_n3A_497 = arith.select %lt3A_495, %masked_sort3A_418, %masked_sort3A_401 : vector<16xi1>, vector<16xi32>
        %masked_sort3A_498 = arith.constant dense<true> : vector<16xi1>
        %masked_sort3A_499, %masked_sort3A_500, %masked_sort3A_501 = tpu.sort %select_n3A_496, %select_n3A_497 masked %masked_sort3A_498 : (vector<16xf32>, vector<16xi32>, vector<16xi1>) -> (vector<16xi1>, vector<16xf32>, vector<16xi32>)
        %lt3A_502 = arith.cmpf olt, %masked_sort3A_451, %masked_sort3A_434 : vector<16xf32>
        %select_n3A_503 = arith.select %lt3A_502, %masked_sort3A_451, %masked_sort3A_434 : vector<16xi1>, vector<16xf32>
        %select_n3A_504 = arith.select %lt3A_502, %masked_sort3A_452, %masked_sort3A_435 : vector<16xi1>, vector<16xi32>
        %masked_sort3A_505 = arith.constant dense<true> : vector<16xi1>
        %masked_sort3A_506, %masked_sort3A_507, %masked_sort3A_508 = tpu.sort %select_n3A_503, %select_n3A_504 masked %masked_sort3A_505 {descending = true} : (vector<16xf32>, vector<16xi32>, vector<16xi1>) -> (vector<16xi1>, vector<16xf32>, vector<16xi32>)
        %lt3A_509 = arith.cmpf olt, %masked_sort3A_465, %masked_sort3A_458 : vector<16xf32>
        %select_n3A_510 = arith.select %lt3A_509, %masked_sort3A_465, %masked_sort3A_458 : vector<16xi1>, vector<16xf32>
        %select_n3A_511 = arith.select %lt3A_509, %masked_sort3A_466, %masked_sort3A_459 : vector<16xi1>, vector<16xi32>
        %masked_sort3A_512 = arith.constant dense<true> : vector<16xi1>
        %masked_sort3A_513, %masked_sort3A_514, %masked_sort3A_515 = tpu.sort %select_n3A_510, %select_n3A_511 masked %masked_sort3A_512 : (vector<16xf32>, vector<16xi32>, vector<16xi1>) -> (vector<16xi1>, vector<16xf32>, vector<16xi32>)
        %lt3A_516 = arith.cmpf olt, %masked_sort3A_479, %masked_sort3A_472 : vector<16xf32>
        %select_n3A_517 = arith.select %lt3A_516, %masked_sort3A_479, %masked_sort3A_472 : vector<16xi1>, vector<16xf32>
        %select_n3A_518 = arith.select %lt3A_516, %masked_sort3A_480, %masked_sort3A_473 : vector<16xi1>, vector<16xi32>
        %masked_sort3A_519 = arith.constant dense<true> : vector<16xi1>
        %masked_sort3A_520, %masked_sort3A_521, %masked_sort3A_522 = tpu.sort %select_n3A_517, %select_n3A_518 masked %masked_sort3A_519 {descending = true} : (vector<16xf32>, vector<16xi32>, vector<16xi1>) -> (vector<16xi1>, vector<16xf32>, vector<16xi32>)
        %lt3A_523 = arith.cmpf olt, %masked_sort3A_493, %masked_sort3A_486 : vector<16xf32>
        %select_n3A_524 = arith.select %lt3A_523, %masked_sort3A_493, %masked_sort3A_486 : vector<16xi1>, vector<16xf32>
        %select_n3A_525 = arith.select %lt3A_523, %masked_sort3A_494, %masked_sort3A_487 : vector<16xi1>, vector<16xi32>
        %masked_sort3A_526 = arith.constant dense<true> : vector<16xi1>
        %masked_sort3A_527, %masked_sort3A_528, %masked_sort3A_529 = tpu.sort %select_n3A_524, %select_n3A_525 masked %masked_sort3A_526 : (vector<16xf32>, vector<16xi32>, vector<16xi1>) -> (vector<16xi1>, vector<16xf32>, vector<16xi32>)
        %lt3A_530 = arith.cmpf olt, %masked_sort3A_507, %masked_sort3A_500 : vector<16xf32>
        %select_n3A_531 = arith.select %lt3A_530, %masked_sort3A_507, %masked_sort3A_500 : vector<16xi1>, vector<16xf32>
        %select_n3A_532 = arith.select %lt3A_530, %masked_sort3A_508, %masked_sort3A_501 : vector<16xi1>, vector<16xi32>
        %masked_sort3A_533 = arith.constant dense<true> : vector<16xi1>
        %masked_sort3A_534, %masked_sort3A_535, %masked_sort3A_536 = tpu.sort %select_n3A_531, %select_n3A_532 masked %masked_sort3A_533 {descending = true} : (vector<16xf32>, vector<16xi32>, vector<16xi1>) -> (vector<16xi1>, vector<16xf32>, vector<16xi32>)
        %lt3A_537 = arith.cmpf olt, %masked_sort3A_521, %masked_sort3A_514 : vector<16xf32>
        %select_n3A_538 = arith.select %lt3A_537, %masked_sort3A_521, %masked_sort3A_514 : vector<16xi1>, vector<16xf32>
        %select_n3A_539 = arith.select %lt3A_537, %masked_sort3A_522, %masked_sort3A_515 : vector<16xi1>, vector<16xi32>
        %masked_sort3A_540 = arith.constant dense<true> : vector<16xi1>
        %masked_sort3A_541, %masked_sort3A_542, %masked_sort3A_543 = tpu.sort %select_n3A_538, %select_n3A_539 masked %masked_sort3A_540 : (vector<16xf32>, vector<16xi32>, vector<16xi1>) -> (vector<16xi1>, vector<16xf32>, vector<16xi32>)
        %lt3A_544 = arith.cmpf olt, %masked_sort3A_535, %masked_sort3A_528 : vector<16xf32>
        %select_n3A_545 = arith.select %lt3A_544, %masked_sort3A_535, %masked_sort3A_528 : vector<16xi1>, vector<16xf32>
        %select_n3A_546 = arith.select %lt3A_544, %masked_sort3A_536, %masked_sort3A_529 : vector<16xi1>, vector<16xi32>
        %masked_sort3A_547 = arith.constant dense<true> : vector<16xi1>
        %masked_sort3A_548, %masked_sort3A_549, %masked_sort3A_550 = tpu.sort %select_n3A_545, %select_n3A_546 masked %masked_sort3A_547 {descending = true} : (vector<16xf32>, vector<16xi32>, vector<16xi1>) -> (vector<16xi1>, vector<16xf32>, vector<16xi32>)
        %lt3A_551 = arith.cmpf olt, %masked_sort3A_549, %masked_sort3A_542 : vector<16xf32>
        %select_n3A_552 = arith.select %lt3A_551, %masked_sort3A_549, %masked_sort3A_542 : vector<16xi1>, vector<16xf32>
        %select_n3A_553 = arith.select %lt3A_551, %masked_sort3A_550, %masked_sort3A_543 : vector<16xi1>, vector<16xi32>
        %masked_sort3A_554 = arith.constant dense<true> : vector<16xi1>
        %masked_sort3A_555, %masked_sort3A_556, %masked_sort3A_557 = tpu.sort %select_n3A_552, %select_n3A_553 masked %masked_sort3A_554 {descending = true} : (vector<16xf32>, vector<16xi32>, vector<16xi1>) -> (vector<16xi1>, vector<16xf32>, vector<16xi32>)
        %lt3A_558 = arith.cmpf olt, %masked_sort3A_556, %scan3A_179 : vector<16xf32>
        %select_n3A_559 = arith.select %lt3A_558, %masked_sort3A_556, %scan3A_179 : vector<16xi1>, vector<16xf32>
        %select_n3A_560 = arith.select %lt3A_558, %masked_sort3A_557, %scan3A_180 : vector<16xi1>, vector<16xi32>
        %masked_sort3A_561 = arith.constant dense<true> : vector<16xi1>
        %masked_sort3A_562, %masked_sort3A_563, %masked_sort3A_564 = tpu.sort %select_n3A_559, %select_n3A_560 masked %masked_sort3A_561 : (vector<16xf32>, vector<16xi32>, vector<16xi1>) -> (vector<16xi1>, vector<16xf32>, vector<16xi32>)
        scf.yield %masked_sort3A_563, %masked_sort3A_564 : vector<16xf32>, vector<16xi32>
      }
      %scan3A_56 = arith.constant 8 : i32
      %gather3A_57 = tpu.vector_load_idx %arg10[%scan3A_55#1] : memref<2048xf32, #tpu.memory_space<vmem>>[vector<16xi32>], vector<16xf32>,
      %gather3A_58 = tpu.vector_load_idx %arg11[%scan3A_55#1] : memref<2048xf32, #tpu.memory_space<vmem>>[vector<16xi32>], vector<16xf32>,
      %gather3A_59 = tpu.vector_load_idx %arg12[%scan3A_55#1] : memref<2048xf32, #tpu.memory_space<vmem>>[vector<16xi32>], vector<16xf32>,
      %mul3A_60 = arith.mulf %gather3A_57, %gather3A_57 : vector<16xf32>
      %mul3A_61 = arith.mulf %gather3A_58, %gather3A_58 : vector<16xf32>
      %mul3A_62 = arith.mulf %gather3A_59, %gather3A_59 : vector<16xf32>
      %mul3A_63 = arith.mulf %gather3A_57, %gather3A_58 : vector<16xf32>
      %mul3A_64 = arith.mulf %gather3A_57, %gather3A_59 : vector<16xf32>
      %mul3A_65 = arith.mulf %gather3A_58, %gather3A_59 : vector<16xf32>
      %broadcast_in_dim3A_66 = arith.constant 0.000000e+00 : f32
      %broadcast_in_dim3A_67 = vector.broadcast %broadcast_in_dim3A_66 : f32 to vector<16xf32>
      %eq3A_68 = arith.constant 0 : i32
      %eq3A_69 = vector.broadcast %eq3A_68 : i32 to vector<16xi32>
      %eq3A_70 = arith.cmpi eq, %iota3A, %eq3A_69 : vector<16xi32>
      %reduce_sum3A = arith.constant true
      %reduce_sum3A_71 = vector.broadcast %reduce_sum3A : i1 to vector<16xi1>
      %reduce_sum3A_72 = tpu.scan <sum>, %gather3A_57 masked %reduce_sum3A_71 : vector<16xf32>, vector<16xi1> -> vector<16xf32>
      %reduce_sum3A_73 = vector.extract %reduce_sum3A_72[15] : f32 from vector<16xf32>
      %jit3A_74 = arith.constant 0.000000e+00 : f32
      %broadcast_in_dim3A_75 = vector.broadcast %reduce_sum3A_73 : f32 to vector<16xf32>
      %broadcast_in_dim3A_76 = vector.broadcast %jit3A_74 : f32 to vector<16xf32>
      %select_n3A_77 = arith.select %eq3A_70, %broadcast_in_dim3A_75, %broadcast_in_dim3A_76 : vector<16xi1>, vector<16xf32>
      %add3A_78 = arith.addf %broadcast_in_dim3A_67, %select_n3A_77 : vector<16xf32>
      %eq3A_79 = arith.constant 1 : i32
      %eq3A_80 = vector.broadcast %eq3A_79 : i32 to vector<16xi32>
      %eq3A_81 = arith.cmpi eq, %iota3A, %eq3A_80 : vector<16xi32>
      %reduce_sum3A_82 = arith.constant true
      %reduce_sum3A_83 = vector.broadcast %reduce_sum3A_82 : i1 to vector<16xi1>
      %reduce_sum3A_84 = tpu.scan <sum>, %gather3A_58 masked %reduce_sum3A_83 : vector<16xf32>, vector<16xi1> -> vector<16xf32>
      %reduce_sum3A_85 = vector.extract %reduce_sum3A_84[15] : f32 from vector<16xf32>
      %jit3A_86 = arith.constant 0.000000e+00 : f32
      %broadcast_in_dim3A_87 = vector.broadcast %reduce_sum3A_85 : f32 to vector<16xf32>
      %broadcast_in_dim3A_88 = vector.broadcast %jit3A_86 : f32 to vector<16xf32>
      %select_n3A_89 = arith.select %eq3A_81, %broadcast_in_dim3A_87, %broadcast_in_dim3A_88 : vector<16xi1>, vector<16xf32>
      %add3A_90 = arith.addf %add3A_78, %select_n3A_89 : vector<16xf32>
      %eq3A_91 = arith.constant 2 : i32
      %eq3A_92 = vector.broadcast %eq3A_91 : i32 to vector<16xi32>
      %eq3A_93 = arith.cmpi eq, %iota3A, %eq3A_92 : vector<16xi32>
      %reduce_sum3A_94 = arith.constant true
      %reduce_sum3A_95 = vector.broadcast %reduce_sum3A_94 : i1 to vector<16xi1>
      %reduce_sum3A_96 = tpu.scan <sum>, %gather3A_59 masked %reduce_sum3A_95 : vector<16xf32>, vector<16xi1> -> vector<16xf32>
      %reduce_sum3A_97 = vector.extract %reduce_sum3A_96[15] : f32 from vector<16xf32>
      %jit3A_98 = arith.constant 0.000000e+00 : f32
      %broadcast_in_dim3A_99 = vector.broadcast %reduce_sum3A_97 : f32 to vector<16xf32>
      %broadcast_in_dim3A_100 = vector.broadcast %jit3A_98 : f32 to vector<16xf32>
      %select_n3A_101 = arith.select %eq3A_93, %broadcast_in_dim3A_99, %broadcast_in_dim3A_100 : vector<16xi1>, vector<16xf32>
      %add3A_102 = arith.addf %add3A_90, %select_n3A_101 : vector<16xf32>
      %eq3A_103 = arith.constant 3 : i32
      %eq3A_104 = vector.broadcast %eq3A_103 : i32 to vector<16xi32>
      %eq3A_105 = arith.cmpi eq, %iota3A, %eq3A_104 : vector<16xi32>
      %reduce_sum3A_106 = arith.constant true
      %reduce_sum3A_107 = vector.broadcast %reduce_sum3A_106 : i1 to vector<16xi1>
      %reduce_sum3A_108 = tpu.scan <sum>, %mul3A_60 masked %reduce_sum3A_107 : vector<16xf32>, vector<16xi1> -> vector<16xf32>
      %reduce_sum3A_109 = vector.extract %reduce_sum3A_108[15] : f32 from vector<16xf32>
      %jit3A_110 = arith.constant 0.000000e+00 : f32
      %broadcast_in_dim3A_111 = vector.broadcast %reduce_sum3A_109 : f32 to vector<16xf32>
      %broadcast_in_dim3A_112 = vector.broadcast %jit3A_110 : f32 to vector<16xf32>
      %select_n3A_113 = arith.select %eq3A_105, %broadcast_in_dim3A_111, %broadcast_in_dim3A_112 : vector<16xi1>, vector<16xf32>
      %add3A_114 = arith.addf %add3A_102, %select_n3A_113 : vector<16xf32>
      %eq3A_115 = arith.constant 4 : i32
      %eq3A_116 = vector.broadcast %eq3A_115 : i32 to vector<16xi32>
      %eq3A_117 = arith.cmpi eq, %iota3A, %eq3A_116 : vector<16xi32>
      %reduce_sum3A_118 = arith.constant true
      %reduce_sum3A_119 = vector.broadcast %reduce_sum3A_118 : i1 to vector<16xi1>
      %reduce_sum3A_120 = tpu.scan <sum>, %mul3A_61 masked %reduce_sum3A_119 : vector<16xf32>, vector<16xi1> -> vector<16xf32>
      %reduce_sum3A_121 = vector.extract %reduce_sum3A_120[15] : f32 from vector<16xf32>
      %jit3A_122 = arith.constant 0.000000e+00 : f32
      %broadcast_in_dim3A_123 = vector.broadcast %reduce_sum3A_121 : f32 to vector<16xf32>
      %broadcast_in_dim3A_124 = vector.broadcast %jit3A_122 : f32 to vector<16xf32>
      %select_n3A_125 = arith.select %eq3A_117, %broadcast_in_dim3A_123, %broadcast_in_dim3A_124 : vector<16xi1>, vector<16xf32>
      %add3A_126 = arith.addf %add3A_114, %select_n3A_125 : vector<16xf32>
      %eq3A_127 = arith.constant 5 : i32
      %eq3A_128 = vector.broadcast %eq3A_127 : i32 to vector<16xi32>
      %eq3A_129 = arith.cmpi eq, %iota3A, %eq3A_128 : vector<16xi32>
      %reduce_sum3A_130 = arith.constant true
      %reduce_sum3A_131 = vector.broadcast %reduce_sum3A_130 : i1 to vector<16xi1>
      %reduce_sum3A_132 = tpu.scan <sum>, %mul3A_62 masked %reduce_sum3A_131 : vector<16xf32>, vector<16xi1> -> vector<16xf32>
      %reduce_sum3A_133 = vector.extract %reduce_sum3A_132[15] : f32 from vector<16xf32>
      %jit3A_134 = arith.constant 0.000000e+00 : f32
      %broadcast_in_dim3A_135 = vector.broadcast %reduce_sum3A_133 : f32 to vector<16xf32>
      %broadcast_in_dim3A_136 = vector.broadcast %jit3A_134 : f32 to vector<16xf32>
      %select_n3A_137 = arith.select %eq3A_129, %broadcast_in_dim3A_135, %broadcast_in_dim3A_136 : vector<16xi1>, vector<16xf32>
      %add3A_138 = arith.addf %add3A_126, %select_n3A_137 : vector<16xf32>
      %eq3A_139 = arith.constant 6 : i32
      %eq3A_140 = vector.broadcast %eq3A_139 : i32 to vector<16xi32>
      %eq3A_141 = arith.cmpi eq, %iota3A, %eq3A_140 : vector<16xi32>
      %reduce_sum3A_142 = arith.constant true
      %reduce_sum3A_143 = vector.broadcast %reduce_sum3A_142 : i1 to vector<16xi1>
      %reduce_sum3A_144 = tpu.scan <sum>, %mul3A_63 masked %reduce_sum3A_143 : vector<16xf32>, vector<16xi1> -> vector<16xf32>
      %reduce_sum3A_145 = vector.extract %reduce_sum3A_144[15] : f32 from vector<16xf32>
      %jit3A_146 = arith.constant 0.000000e+00 : f32
      %broadcast_in_dim3A_147 = vector.broadcast %reduce_sum3A_145 : f32 to vector<16xf32>
      %broadcast_in_dim3A_148 = vector.broadcast %jit3A_146 : f32 to vector<16xf32>
      %select_n3A_149 = arith.select %eq3A_141, %broadcast_in_dim3A_147, %broadcast_in_dim3A_148 : vector<16xi1>, vector<16xf32>
      %add3A_150 = arith.addf %add3A_138, %select_n3A_149 : vector<16xf32>
      %eq3A_151 = arith.constant 7 : i32
      %eq3A_152 = vector.broadcast %eq3A_151 : i32 to vector<16xi32>
      %eq3A_153 = arith.cmpi eq, %iota3A, %eq3A_152 : vector<16xi32>
      %reduce_sum3A_154 = arith.constant true
      %reduce_sum3A_155 = vector.broadcast %reduce_sum3A_154 : i1 to vector<16xi1>
      %reduce_sum3A_156 = tpu.scan <sum>, %mul3A_64 masked %reduce_sum3A_155 : vector<16xf32>, vector<16xi1> -> vector<16xf32>
      %reduce_sum3A_157 = vector.extract %reduce_sum3A_156[15] : f32 from vector<16xf32>
      %jit3A_158 = arith.constant 0.000000e+00 : f32
      %broadcast_in_dim3A_159 = vector.broadcast %reduce_sum3A_157 : f32 to vector<16xf32>
      %broadcast_in_dim3A_160 = vector.broadcast %jit3A_158 : f32 to vector<16xf32>
      %select_n3A_161 = arith.select %eq3A_153, %broadcast_in_dim3A_159, %broadcast_in_dim3A_160 : vector<16xi1>, vector<16xf32>
      %add3A_162 = arith.addf %add3A_150, %select_n3A_161 : vector<16xf32>
      %eq3A_163 = arith.constant 8 : i32
      %eq3A_164 = vector.broadcast %eq3A_163 : i32 to vector<16xi32>
      %eq3A_165 = arith.cmpi eq, %iota3A, %eq3A_164 : vector<16xi32>
      %reduce_sum3A_166 = arith.constant true
      %reduce_sum3A_167 = vector.broadcast %reduce_sum3A_166 : i1 to vector<16xi1>
      %reduce_sum3A_168 = tpu.scan <sum>, %mul3A_65 masked %reduce_sum3A_167 : vector<16xf32>, vector<16xi1> -> vector<16xf32>
      %reduce_sum3A_169 = vector.extract %reduce_sum3A_168[15] : f32 from vector<16xf32>
      %jit3A_170 = arith.constant 0.000000e+00 : f32
      %broadcast_in_dim3A_171 = vector.broadcast %reduce_sum3A_169 : f32 to vector<16xf32>
      %broadcast_in_dim3A_172 = vector.broadcast %jit3A_170 : f32 to vector<16xf32>
      %select_n3A_173 = arith.select %eq3A_165, %broadcast_in_dim3A_171, %broadcast_in_dim3A_172 : vector<16xi1>, vector<16xf32>
      %add3A_174 = arith.addf %add3A_162, %select_n3A_173 : vector<16xf32>
      %swap3A = arith.index_cast %scan3A_30 : i32 to index
      %swap3A_175 = arith.constant 0 : index
      %swap3A_176 = tpu.vector_load %arg13[%swap3A, %swap3A_175] {strides = array<i32>} : memref<512x16xf32, #tpu.memory_space<vmem>>, vector<16xf32>,
      tpu.vector_store %arg13[%swap3A, %swap3A_175], %add3A_174 {strides = array<i32>} : memref<512x16xf32, #tpu.memory_space<vmem>>, vector<16xf32>,
      %scan3A_177 = arith.constant 0 : i32
      scf.yield %scan3A_177 : i32
    }
    %scan3A_29 = arith.constant 512 : i32
    "tpu.region"() ({
      %run_scoped3A = tpu.sem_alloc : memref<!tpu.dma_semaphore, #tpu.memory_space<semaphore_mem>>
      %dma_start3A = arith.constant 0 : i32
      %dma_start3A_30 = tpu.memref_slice %arg7[%mul3A_2, %dma_start3A] : memref<16384x16xf32, #tpu.memory_space<hbm>> -> memref<512x16xf32, #tpu.memory_space<hbm>>
      %dma_start3A_31 = arith.constant 0 : i32
      %dma_start3A_32 = tpu.memref_slice %arg7[%mul3A_2, %dma_start3A_31] : memref<16384x16xf32, #tpu.memory_space<hbm>> -> memref<512x16xf32, #tpu.memory_space<hbm>>
      tpu.enqueue_dma source(%arg13 : memref<512x16xf32, #tpu.memory_space<vmem>>) target(%dma_start3A_32 : memref<512x16xf32, #tpu.memory_space<hbm>>) target_semaphore(%run_scoped3A : memref<!tpu.dma_semaphore, #tpu.memory_space<semaphore_mem>>)
      %dma_wait3A = arith.constant 0 : i32
      %dma_wait3A_33 = tpu.memref_slice %arg7[%mul3A_2, %dma_wait3A] : memref<16384x16xf32, #tpu.memory_space<hbm>> -> memref<512x16xf32, #tpu.memory_space<hbm>>
      %dma_wait3A_34 = arith.constant 0 : i32
      %dma_wait3A_35 = tpu.memref_slice %arg7[%mul3A_2, %dma_wait3A_34] : memref<16384x16xf32, #tpu.memory_space<hbm>> -> memref<512x16xf32, #tpu.memory_space<hbm>>
      tpu.wait_dma2 semaphore(%run_scoped3A : memref<!tpu.dma_semaphore, #tpu.memory_space<semaphore_mem>>) src(%arg13 : memref<512x16xf32, #tpu.memory_space<vmem>>) dst(%dma_wait3A_35 : memref<512x16xf32, #tpu.memory_space<hbm>>)
      tpu.yield
    }) : () -> ()
    return
  }
}

module attributes {stable_mosaic.version = 14 : i64} {
  func.func @_eig_kernel(%arg0: memref<9x16384xf32, #tpu.memory_space<vmem>>, %arg1: memref<3x16384xf32, #tpu.memory_space<vmem>>) attributes {dimension_semantics = [], scalar_prefetch = 0 : i64, scratch_operands = 0 : i64, tpu.core_type = #tpu.core_type<tc>} {
    %get3A = arith.constant 0 : index
    %get3A_0 = arith.constant 0 : index
    %get3A_1 = vector.load %arg0[%get3A, %get3A_0] : memref<9x16384xf32, #tpu.memory_space<vmem>>, vector<1x16384xf32>
    %get3A_2 = arith.constant 1 : index
    %get3A_3 = arith.constant 0 : index
    %get3A_4 = vector.load %arg0[%get3A_2, %get3A_3] : memref<9x16384xf32, #tpu.memory_space<vmem>>, vector<1x16384xf32>
    %get3A_5 = arith.constant 2 : index
    %get3A_6 = arith.constant 0 : index
    %get3A_7 = vector.load %arg0[%get3A_5, %get3A_6] : memref<9x16384xf32, #tpu.memory_space<vmem>>, vector<1x16384xf32>
    %get3A_8 = arith.constant 3 : index
    %get3A_9 = arith.constant 0 : index
    %get3A_10 = vector.load %arg0[%get3A_8, %get3A_9] : memref<9x16384xf32, #tpu.memory_space<vmem>>, vector<1x16384xf32>
    %mul3A = arith.mulf %get3A_1, %get3A_1 : vector<1x16384xf32>
    %div3A = arith.constant 1.600000e+01 : f32
    %div3A_11 = vector.broadcast %div3A : f32 to vector<1x16384xf32>
    %div3A_12 = arith.divf %mul3A, %div3A_11 : vector<1x16384xf32>
    %sub3A = arith.subf %get3A_10, %div3A_12 : vector<1x16384xf32>
    %get3A_13 = arith.constant 4 : index
    %get3A_14 = arith.constant 0 : index
    %get3A_15 = vector.load %arg0[%get3A_13, %get3A_14] : memref<9x16384xf32, #tpu.memory_space<vmem>>, vector<1x16384xf32>
    %mul3A_16 = arith.mulf %get3A_4, %get3A_4 : vector<1x16384xf32>
    %div3A_17 = arith.constant 1.600000e+01 : f32
    %div3A_18 = vector.broadcast %div3A_17 : f32 to vector<1x16384xf32>
    %div3A_19 = arith.divf %mul3A_16, %div3A_18 : vector<1x16384xf32>
    %sub3A_20 = arith.subf %get3A_15, %div3A_19 : vector<1x16384xf32>
    %get3A_21 = arith.constant 5 : index
    %get3A_22 = arith.constant 0 : index
    %get3A_23 = vector.load %arg0[%get3A_21, %get3A_22] : memref<9x16384xf32, #tpu.memory_space<vmem>>, vector<1x16384xf32>
    %mul3A_24 = arith.mulf %get3A_7, %get3A_7 : vector<1x16384xf32>
    %div3A_25 = arith.constant 1.600000e+01 : f32
    %div3A_26 = vector.broadcast %div3A_25 : f32 to vector<1x16384xf32>
    %div3A_27 = arith.divf %mul3A_24, %div3A_26 : vector<1x16384xf32>
    %sub3A_28 = arith.subf %get3A_23, %div3A_27 : vector<1x16384xf32>
    %get3A_29 = arith.constant 6 : index
    %get3A_30 = arith.constant 0 : index
    %get3A_31 = vector.load %arg0[%get3A_29, %get3A_30] : memref<9x16384xf32, #tpu.memory_space<vmem>>, vector<1x16384xf32>
    %mul3A_32 = arith.mulf %get3A_1, %get3A_4 : vector<1x16384xf32>
    %div3A_33 = arith.constant 1.600000e+01 : f32
    %div3A_34 = vector.broadcast %div3A_33 : f32 to vector<1x16384xf32>
    %div3A_35 = arith.divf %mul3A_32, %div3A_34 : vector<1x16384xf32>
    %sub3A_36 = arith.subf %get3A_31, %div3A_35 : vector<1x16384xf32>
    %get3A_37 = arith.constant 7 : index
    %get3A_38 = arith.constant 0 : index
    %get3A_39 = vector.load %arg0[%get3A_37, %get3A_38] : memref<9x16384xf32, #tpu.memory_space<vmem>>, vector<1x16384xf32>
    %mul3A_40 = arith.mulf %get3A_1, %get3A_7 : vector<1x16384xf32>
    %div3A_41 = arith.constant 1.600000e+01 : f32
    %div3A_42 = vector.broadcast %div3A_41 : f32 to vector<1x16384xf32>
    %div3A_43 = arith.divf %mul3A_40, %div3A_42 : vector<1x16384xf32>
    %sub3A_44 = arith.subf %get3A_39, %div3A_43 : vector<1x16384xf32>
    %get3A_45 = arith.constant 8 : index
    %get3A_46 = arith.constant 0 : index
    %get3A_47 = vector.load %arg0[%get3A_45, %get3A_46] : memref<9x16384xf32, #tpu.memory_space<vmem>>, vector<1x16384xf32>
    %mul3A_48 = arith.mulf %get3A_4, %get3A_7 : vector<1x16384xf32>
    %div3A_49 = arith.constant 1.600000e+01 : f32
    %div3A_50 = vector.broadcast %div3A_49 : f32 to vector<1x16384xf32>
    %div3A_51 = arith.divf %mul3A_48, %div3A_50 : vector<1x16384xf32>
    %sub3A_52 = arith.subf %get3A_47, %div3A_51 : vector<1x16384xf32>
    %mul3A_53 = arith.constant 2.000000e+00 : f32
    %mul3A_54 = vector.broadcast %mul3A_53 : f32 to vector<1x16384xf32>
    %mul3A_55 = arith.mulf %mul3A_54, %sub3A_36 : vector<1x16384xf32>
    %sub3A_56 = arith.subf %sub3A_20, %sub3A : vector<1x16384xf32>
    %eq3A = arith.constant 0.000000e+00 : f32
    %eq3A_57 = vector.broadcast %eq3A : f32 to vector<1x16384xf32>
    %eq3A_58 = arith.cmpf oeq, %mul3A_55, %eq3A_57 : vector<1x16384xf32>
    %jit3A = arith.constant 1.000000e+00 : f32
    %broadcast_in_dim3A = vector.broadcast %jit3A : f32 to vector<1x16384xf32>
    %select_n3A = arith.select %eq3A_58, %broadcast_in_dim3A, %mul3A_55 : vector<1x16384xi1>, vector<1x16384xf32>
    %div3A_59 = arith.divf %sub3A_56, %select_n3A : vector<1x16384xf32>
    %ge3A = arith.constant 0.000000e+00 : f32
    %ge3A_60 = vector.broadcast %ge3A : f32 to vector<1x16384xf32>
    %ge3A_61 = arith.cmpf oge, %div3A_59, %ge3A_60 : vector<1x16384xf32>
    %neg3A = arith.constant 0.000000e+00 : f32
    %neg3A_62 = arith.constant 1.000000e+00 : f32
    %neg3A_63 = arith.subf %neg3A, %neg3A_62 : f32
    %jit3A_64 = arith.constant 1.000000e+00 : f32
    %broadcast_in_dim3A_65 = vector.broadcast %jit3A_64 : f32 to vector<1x16384xf32>
    %broadcast_in_dim3A_66 = vector.broadcast %neg3A_63 : f32 to vector<1x16384xf32>
    %select_n3A_67 = arith.select %ge3A_61, %broadcast_in_dim3A_65, %broadcast_in_dim3A_66 : vector<1x16384xi1>, vector<1x16384xf32>
    %abs3A = math.absf %div3A_59 : vector<1x16384xf32>
    %mul3A_68 = arith.mulf %div3A_59, %div3A_59 : vector<1x16384xf32>
    %add3A = arith.constant 1.000000e+00 : f32
    %add3A_69 = vector.broadcast %add3A : f32 to vector<1x16384xf32>
    %add3A_70 = arith.addf %mul3A_68, %add3A_69 : vector<1x16384xf32>
    %sqrt3A = math.sqrt %add3A_70 : vector<1x16384xf32>
    %add3A_71 = arith.addf %abs3A, %sqrt3A : vector<1x16384xf32>
    %div3A_72 = arith.divf %select_n3A_67, %add3A_71 : vector<1x16384xf32>
    %eq3A_73 = arith.constant 0.000000e+00 : f32
    %eq3A_74 = vector.broadcast %eq3A_73 : f32 to vector<1x16384xf32>
    %eq3A_75 = arith.cmpf oeq, %sub3A_36, %eq3A_74 : vector<1x16384xf32>
    %jit3A_76 = arith.constant 0.000000e+00 : f32
    %broadcast_in_dim3A_77 = vector.broadcast %jit3A_76 : f32 to vector<1x16384xf32>
    %select_n3A_78 = arith.select %eq3A_75, %broadcast_in_dim3A_77, %div3A_72 : vector<1x16384xi1>, vector<1x16384xf32>
    %mul3A_79 = arith.mulf %select_n3A_78, %select_n3A_78 : vector<1x16384xf32>
    %add3A_80 = arith.constant 1.000000e+00 : f32
    %add3A_81 = vector.broadcast %add3A_80 : f32 to vector<1x16384xf32>
    %add3A_82 = arith.addf %mul3A_79, %add3A_81 : vector<1x16384xf32>
    %rsqrt3A = math.rsqrt %add3A_82 : vector<1x16384xf32>
    %mul3A_83 = arith.mulf %select_n3A_78, %rsqrt3A : vector<1x16384xf32>
    %mul3A_84 = arith.mulf %select_n3A_78, %sub3A_36 : vector<1x16384xf32>
    %sub3A_85 = arith.subf %sub3A, %mul3A_84 : vector<1x16384xf32>
    %mul3A_86 = arith.mulf %select_n3A_78, %sub3A_36 : vector<1x16384xf32>
    %add3A_87 = arith.addf %sub3A_20, %mul3A_86 : vector<1x16384xf32>
    %mul3A_88 = arith.mulf %rsqrt3A, %sub3A_44 : vector<1x16384xf32>
    %mul3A_89 = arith.mulf %mul3A_83, %sub3A_52 : vector<1x16384xf32>
    %sub3A_90 = arith.subf %mul3A_88, %mul3A_89 : vector<1x16384xf32>
    %mul3A_91 = arith.mulf %mul3A_83, %sub3A_44 : vector<1x16384xf32>
    %mul3A_92 = arith.mulf %rsqrt3A, %sub3A_52 : vector<1x16384xf32>
    %add3A_93 = arith.addf %mul3A_91, %mul3A_92 : vector<1x16384xf32>
    %mul3A_94 = arith.constant 0.000000e+00 : f32
    %mul3A_95 = vector.broadcast %mul3A_94 : f32 to vector<1x16384xf32>
    %mul3A_96 = arith.mulf %mul3A_95, %sub3A_36 : vector<1x16384xf32>
    %mul3A_97 = arith.constant 2.000000e+00 : f32
    %mul3A_98 = vector.broadcast %mul3A_97 : f32 to vector<1x16384xf32>
    %mul3A_99 = arith.mulf %mul3A_98, %sub3A_90 : vector<1x16384xf32>
    %sub3A_100 = arith.subf %sub3A_28, %sub3A_85 : vector<1x16384xf32>
    %eq3A_101 = arith.constant 0.000000e+00 : f32
    %eq3A_102 = vector.broadcast %eq3A_101 : f32 to vector<1x16384xf32>
    %eq3A_103 = arith.cmpf oeq, %mul3A_99, %eq3A_102 : vector<1x16384xf32>
    %jit3A_104 = arith.constant 1.000000e+00 : f32
    %broadcast_in_dim3A_105 = vector.broadcast %jit3A_104 : f32 to vector<1x16384xf32>
    %select_n3A_106 = arith.select %eq3A_103, %broadcast_in_dim3A_105, %mul3A_99 : vector<1x16384xi1>, vector<1x16384xf32>
    %div3A_107 = arith.divf %sub3A_100, %select_n3A_106 : vector<1x16384xf32>
    %ge3A_108 = arith.constant 0.000000e+00 : f32
    %ge3A_109 = vector.broadcast %ge3A_108 : f32 to vector<1x16384xf32>
    %ge3A_110 = arith.cmpf oge, %div3A_107, %ge3A_109 : vector<1x16384xf32>
    %neg3A_111 = arith.constant 0.000000e+00 : f32
    %neg3A_112 = arith.constant 1.000000e+00 : f32
    %neg3A_113 = arith.subf %neg3A_111, %neg3A_112 : f32
    %jit3A_114 = arith.constant 1.000000e+00 : f32
    %broadcast_in_dim3A_115 = vector.broadcast %jit3A_114 : f32 to vector<1x16384xf32>
    %broadcast_in_dim3A_116 = vector.broadcast %neg3A_113 : f32 to vector<1x16384xf32>
    %select_n3A_117 = arith.select %ge3A_110, %broadcast_in_dim3A_115, %broadcast_in_dim3A_116 : vector<1x16384xi1>, vector<1x16384xf32>
    %abs3A_118 = math.absf %div3A_107 : vector<1x16384xf32>
    %mul3A_119 = arith.mulf %div3A_107, %div3A_107 : vector<1x16384xf32>
    %add3A_120 = arith.constant 1.000000e+00 : f32
    %add3A_121 = vector.broadcast %add3A_120 : f32 to vector<1x16384xf32>
    %add3A_122 = arith.addf %mul3A_119, %add3A_121 : vector<1x16384xf32>
    %sqrt3A_123 = math.sqrt %add3A_122 : vector<1x16384xf32>
    %add3A_124 = arith.addf %abs3A_118, %sqrt3A_123 : vector<1x16384xf32>
    %div3A_125 = arith.divf %select_n3A_117, %add3A_124 : vector<1x16384xf32>
    %eq3A_126 = arith.constant 0.000000e+00 : f32
    %eq3A_127 = vector.broadcast %eq3A_126 : f32 to vector<1x16384xf32>
    %eq3A_128 = arith.cmpf oeq, %sub3A_90, %eq3A_127 : vector<1x16384xf32>
    %jit3A_129 = arith.constant 0.000000e+00 : f32
    %broadcast_in_dim3A_130 = vector.broadcast %jit3A_129 : f32 to vector<1x16384xf32>
    %select_n3A_131 = arith.select %eq3A_128, %broadcast_in_dim3A_130, %div3A_125 : vector<1x16384xi1>, vector<1x16384xf32>
    %mul3A_132 = arith.mulf %select_n3A_131, %select_n3A_131 : vector<1x16384xf32>
    %add3A_133 = arith.constant 1.000000e+00 : f32
    %add3A_134 = vector.broadcast %add3A_133 : f32 to vector<1x16384xf32>
    %add3A_135 = arith.addf %mul3A_132, %add3A_134 : vector<1x16384xf32>
    %rsqrt3A_136 = math.rsqrt %add3A_135 : vector<1x16384xf32>
    %mul3A_137 = arith.mulf %select_n3A_131, %rsqrt3A_136 : vector<1x16384xf32>
    %mul3A_138 = arith.mulf %select_n3A_131, %sub3A_90 : vector<1x16384xf32>
    %sub3A_139 = arith.subf %sub3A_85, %mul3A_138 : vector<1x16384xf32>
    %mul3A_140 = arith.mulf %select_n3A_131, %sub3A_90 : vector<1x16384xf32>
    %add3A_141 = arith.addf %sub3A_28, %mul3A_140 : vector<1x16384xf32>
    %mul3A_142 = arith.mulf %rsqrt3A_136, %mul3A_96 : vector<1x16384xf32>
    %mul3A_143 = arith.mulf %mul3A_137, %add3A_93 : vector<1x16384xf32>
    %sub3A_144 = arith.subf %mul3A_142, %mul3A_143 : vector<1x16384xf32>
    %mul3A_145 = arith.mulf %mul3A_137, %mul3A_96 : vector<1x16384xf32>
    %mul3A_146 = arith.mulf %rsqrt3A_136, %add3A_93 : vector<1x16384xf32>
    %add3A_147 = arith.addf %mul3A_145, %mul3A_146 : vector<1x16384xf32>
    %mul3A_148 = arith.constant 0.000000e+00 : f32
    %mul3A_149 = vector.broadcast %mul3A_148 : f32 to vector<1x16384xf32>
    %mul3A_150 = arith.mulf %mul3A_149, %sub3A_90 : vector<1x16384xf32>
    %mul3A_151 = arith.constant 2.000000e+00 : f32
    %mul3A_152 = vector.broadcast %mul3A_151 : f32 to vector<1x16384xf32>
    %mul3A_153 = arith.mulf %mul3A_152, %add3A_147 : vector<1x16384xf32>
    %sub3A_154 = arith.subf %add3A_141, %add3A_87 : vector<1x16384xf32>
    %eq3A_155 = arith.constant 0.000000e+00 : f32
    %eq3A_156 = vector.broadcast %eq3A_155 : f32 to vector<1x16384xf32>
    %eq3A_157 = arith.cmpf oeq, %mul3A_153, %eq3A_156 : vector<1x16384xf32>
    %jit3A_158 = arith.constant 1.000000e+00 : f32
    %broadcast_in_dim3A_159 = vector.broadcast %jit3A_158 : f32 to vector<1x16384xf32>
    %select_n3A_160 = arith.select %eq3A_157, %broadcast_in_dim3A_159, %mul3A_153 : vector<1x16384xi1>, vector<1x16384xf32>
    %div3A_161 = arith.divf %sub3A_154, %select_n3A_160 : vector<1x16384xf32>
    %ge3A_162 = arith.constant 0.000000e+00 : f32
    %ge3A_163 = vector.broadcast %ge3A_162 : f32 to vector<1x16384xf32>
    %ge3A_164 = arith.cmpf oge, %div3A_161, %ge3A_163 : vector<1x16384xf32>
    %neg3A_165 = arith.constant 0.000000e+00 : f32
    %neg3A_166 = arith.constant 1.000000e+00 : f32
    %neg3A_167 = arith.subf %neg3A_165, %neg3A_166 : f32
    %jit3A_168 = arith.constant 1.000000e+00 : f32
    %broadcast_in_dim3A_169 = vector.broadcast %jit3A_168 : f32 to vector<1x16384xf32>
    %broadcast_in_dim3A_170 = vector.broadcast %neg3A_167 : f32 to vector<1x16384xf32>
    %select_n3A_171 = arith.select %ge3A_164, %broadcast_in_dim3A_169, %broadcast_in_dim3A_170 : vector<1x16384xi1>, vector<1x16384xf32>
    %abs3A_172 = math.absf %div3A_161 : vector<1x16384xf32>
    %mul3A_173 = arith.mulf %div3A_161, %div3A_161 : vector<1x16384xf32>
    %add3A_174 = arith.constant 1.000000e+00 : f32
    %add3A_175 = vector.broadcast %add3A_174 : f32 to vector<1x16384xf32>
    %add3A_176 = arith.addf %mul3A_173, %add3A_175 : vector<1x16384xf32>
    %sqrt3A_177 = math.sqrt %add3A_176 : vector<1x16384xf32>
    %add3A_178 = arith.addf %abs3A_172, %sqrt3A_177 : vector<1x16384xf32>
    %div3A_179 = arith.divf %select_n3A_171, %add3A_178 : vector<1x16384xf32>
    %eq3A_180 = arith.constant 0.000000e+00 : f32
    %eq3A_181 = vector.broadcast %eq3A_180 : f32 to vector<1x16384xf32>
    %eq3A_182 = arith.cmpf oeq, %add3A_147, %eq3A_181 : vector<1x16384xf32>
    %jit3A_183 = arith.constant 0.000000e+00 : f32
    %broadcast_in_dim3A_184 = vector.broadcast %jit3A_183 : f32 to vector<1x16384xf32>
    %select_n3A_185 = arith.select %eq3A_182, %broadcast_in_dim3A_184, %div3A_179 : vector<1x16384xi1>, vector<1x16384xf32>
    %mul3A_186 = arith.mulf %select_n3A_185, %select_n3A_185 : vector<1x16384xf32>
    %add3A_187 = arith.constant 1.000000e+00 : f32
    %add3A_188 = vector.broadcast %add3A_187 : f32 to vector<1x16384xf32>
    %add3A_189 = arith.addf %mul3A_186, %add3A_188 : vector<1x16384xf32>
    %rsqrt3A_190 = math.rsqrt %add3A_189 : vector<1x16384xf32>
    %mul3A_191 = arith.mulf %select_n3A_185, %rsqrt3A_190 : vector<1x16384xf32>
    %mul3A_192 = arith.mulf %select_n3A_185, %add3A_147 : vector<1x16384xf32>
    %sub3A_193 = arith.subf %add3A_87, %mul3A_192 : vector<1x16384xf32>
    %mul3A_194 = arith.mulf %select_n3A_185, %add3A_147 : vector<1x16384xf32>
    %add3A_195 = arith.addf %add3A_141, %mul3A_194 : vector<1x16384xf32>
    %mul3A_196 = arith.mulf %rsqrt3A_190, %sub3A_144 : vector<1x16384xf32>
    %mul3A_197 = arith.mulf %mul3A_191, %mul3A_150 : vector<1x16384xf32>
    %sub3A_198 = arith.subf %mul3A_196, %mul3A_197 : vector<1x16384xf32>
    %mul3A_199 = arith.mulf %mul3A_191, %sub3A_144 : vector<1x16384xf32>
    %mul3A_200 = arith.mulf %rsqrt3A_190, %mul3A_150 : vector<1x16384xf32>
    %add3A_201 = arith.addf %mul3A_199, %mul3A_200 : vector<1x16384xf32>
    %mul3A_202 = arith.constant 0.000000e+00 : f32
    %mul3A_203 = vector.broadcast %mul3A_202 : f32 to vector<1x16384xf32>
    %mul3A_204 = arith.mulf %mul3A_203, %add3A_147 : vector<1x16384xf32>
    %mul3A_205 = arith.constant 2.000000e+00 : f32
    %mul3A_206 = vector.broadcast %mul3A_205 : f32 to vector<1x16384xf32>
    %mul3A_207 = arith.mulf %mul3A_206, %sub3A_198 : vector<1x16384xf32>
    %sub3A_208 = arith.subf %sub3A_193, %sub3A_139 : vector<1x16384xf32>
    %eq3A_209 = arith.constant 0.000000e+00 : f32
    %eq3A_210 = vector.broadcast %eq3A_209 : f32 to vector<1x16384xf32>
    %eq3A_211 = arith.cmpf oeq, %mul3A_207, %eq3A_210 : vector<1x16384xf32>
    %jit3A_212 = arith.constant 1.000000e+00 : f32
    %broadcast_in_dim3A_213 = vector.broadcast %jit3A_212 : f32 to vector<1x16384xf32>
    %select_n3A_214 = arith.select %eq3A_211, %broadcast_in_dim3A_213, %mul3A_207 : vector<1x16384xi1>, vector<1x16384xf32>
    %div3A_215 = arith.divf %sub3A_208, %select_n3A_214 : vector<1x16384xf32>
    %ge3A_216 = arith.constant 0.000000e+00 : f32
    %ge3A_217 = vector.broadcast %ge3A_216 : f32 to vector<1x16384xf32>
    %ge3A_218 = arith.cmpf oge, %div3A_215, %ge3A_217 : vector<1x16384xf32>
    %neg3A_219 = arith.constant 0.000000e+00 : f32
    %neg3A_220 = arith.constant 1.000000e+00 : f32
    %neg3A_221 = arith.subf %neg3A_219, %neg3A_220 : f32
    %jit3A_222 = arith.constant 1.000000e+00 : f32
    %broadcast_in_dim3A_223 = vector.broadcast %jit3A_222 : f32 to vector<1x16384xf32>
    %broadcast_in_dim3A_224 = vector.broadcast %neg3A_221 : f32 to vector<1x16384xf32>
    %select_n3A_225 = arith.select %ge3A_218, %broadcast_in_dim3A_223, %broadcast_in_dim3A_224 : vector<1x16384xi1>, vector<1x16384xf32>
    %abs3A_226 = math.absf %div3A_215 : vector<1x16384xf32>
    %mul3A_227 = arith.mulf %div3A_215, %div3A_215 : vector<1x16384xf32>
    %add3A_228 = arith.constant 1.000000e+00 : f32
    %add3A_229 = vector.broadcast %add3A_228 : f32 to vector<1x16384xf32>
    %add3A_230 = arith.addf %mul3A_227, %add3A_229 : vector<1x16384xf32>
    %sqrt3A_231 = math.sqrt %add3A_230 : vector<1x16384xf32>
    %add3A_232 = arith.addf %abs3A_226, %sqrt3A_231 : vector<1x16384xf32>
    %div3A_233 = arith.divf %select_n3A_225, %add3A_232 : vector<1x16384xf32>
    %eq3A_234 = arith.constant 0.000000e+00 : f32
    %eq3A_235 = vector.broadcast %eq3A_234 : f32 to vector<1x16384xf32>
    %eq3A_236 = arith.cmpf oeq, %sub3A_198, %eq3A_235 : vector<1x16384xf32>
    %jit3A_237 = arith.constant 0.000000e+00 : f32
    %broadcast_in_dim3A_238 = vector.broadcast %jit3A_237 : f32 to vector<1x16384xf32>
    %select_n3A_239 = arith.select %eq3A_236, %broadcast_in_dim3A_238, %div3A_233 : vector<1x16384xi1>, vector<1x16384xf32>
    %mul3A_240 = arith.mulf %select_n3A_239, %select_n3A_239 : vector<1x16384xf32>
    %add3A_241 = arith.constant 1.000000e+00 : f32
    %add3A_242 = vector.broadcast %add3A_241 : f32 to vector<1x16384xf32>
    %add3A_243 = arith.addf %mul3A_240, %add3A_242 : vector<1x16384xf32>
    %rsqrt3A_244 = math.rsqrt %add3A_243 : vector<1x16384xf32>
    %mul3A_245 = arith.mulf %select_n3A_239, %rsqrt3A_244 : vector<1x16384xf32>
    %mul3A_246 = arith.mulf %select_n3A_239, %sub3A_198 : vector<1x16384xf32>
    %sub3A_247 = arith.subf %sub3A_139, %mul3A_246 : vector<1x16384xf32>
    %mul3A_248 = arith.mulf %select_n3A_239, %sub3A_198 : vector<1x16384xf32>
    %add3A_249 = arith.addf %sub3A_193, %mul3A_248 : vector<1x16384xf32>
    %mul3A_250 = arith.mulf %rsqrt3A_244, %add3A_201 : vector<1x16384xf32>
    %mul3A_251 = arith.mulf %mul3A_245, %mul3A_204 : vector<1x16384xf32>
    %sub3A_252 = arith.subf %mul3A_250, %mul3A_251 : vector<1x16384xf32>
    %mul3A_253 = arith.mulf %mul3A_245, %add3A_201 : vector<1x16384xf32>
    %mul3A_254 = arith.mulf %rsqrt3A_244, %mul3A_204 : vector<1x16384xf32>
    %add3A_255 = arith.addf %mul3A_253, %mul3A_254 : vector<1x16384xf32>
    %mul3A_256 = arith.constant 0.000000e+00 : f32
    %mul3A_257 = vector.broadcast %mul3A_256 : f32 to vector<1x16384xf32>
    %mul3A_258 = arith.mulf %mul3A_257, %sub3A_198 : vector<1x16384xf32>
    %mul3A_259 = arith.constant 2.000000e+00 : f32
    %mul3A_260 = vector.broadcast %mul3A_259 : f32 to vector<1x16384xf32>
    %mul3A_261 = arith.mulf %mul3A_260, %sub3A_252 : vector<1x16384xf32>
    %sub3A_262 = arith.subf %add3A_195, %sub3A_247 : vector<1x16384xf32>
    %eq3A_263 = arith.constant 0.000000e+00 : f32
    %eq3A_264 = vector.broadcast %eq3A_263 : f32 to vector<1x16384xf32>
    %eq3A_265 = arith.cmpf oeq, %mul3A_261, %eq3A_264 : vector<1x16384xf32>
    %jit3A_266 = arith.constant 1.000000e+00 : f32
    %broadcast_in_dim3A_267 = vector.broadcast %jit3A_266 : f32 to vector<1x16384xf32>
    %select_n3A_268 = arith.select %eq3A_265, %broadcast_in_dim3A_267, %mul3A_261 : vector<1x16384xi1>, vector<1x16384xf32>
    %div3A_269 = arith.divf %sub3A_262, %select_n3A_268 : vector<1x16384xf32>
    %ge3A_270 = arith.constant 0.000000e+00 : f32
    %ge3A_271 = vector.broadcast %ge3A_270 : f32 to vector<1x16384xf32>
    %ge3A_272 = arith.cmpf oge, %div3A_269, %ge3A_271 : vector<1x16384xf32>
    %neg3A_273 = arith.constant 0.000000e+00 : f32
    %neg3A_274 = arith.constant 1.000000e+00 : f32
    %neg3A_275 = arith.subf %neg3A_273, %neg3A_274 : f32
    %jit3A_276 = arith.constant 1.000000e+00 : f32
    %broadcast_in_dim3A_277 = vector.broadcast %jit3A_276 : f32 to vector<1x16384xf32>
    %broadcast_in_dim3A_278 = vector.broadcast %neg3A_275 : f32 to vector<1x16384xf32>
    %select_n3A_279 = arith.select %ge3A_272, %broadcast_in_dim3A_277, %broadcast_in_dim3A_278 : vector<1x16384xi1>, vector<1x16384xf32>
    %abs3A_280 = math.absf %div3A_269 : vector<1x16384xf32>
    %mul3A_281 = arith.mulf %div3A_269, %div3A_269 : vector<1x16384xf32>
    %add3A_282 = arith.constant 1.000000e+00 : f32
    %add3A_283 = vector.broadcast %add3A_282 : f32 to vector<1x16384xf32>
    %add3A_284 = arith.addf %mul3A_281, %add3A_283 : vector<1x16384xf32>
    %sqrt3A_285 = math.sqrt %add3A_284 : vector<1x16384xf32>
    %add3A_286 = arith.addf %abs3A_280, %sqrt3A_285 : vector<1x16384xf32>
    %div3A_287 = arith.divf %select_n3A_279, %add3A_286 : vector<1x16384xf32>
    %eq3A_288 = arith.constant 0.000000e+00 : f32
    %eq3A_289 = vector.broadcast %eq3A_288 : f32 to vector<1x16384xf32>
    %eq3A_290 = arith.cmpf oeq, %sub3A_252, %eq3A_289 : vector<1x16384xf32>
    %jit3A_291 = arith.constant 0.000000e+00 : f32
    %broadcast_in_dim3A_292 = vector.broadcast %jit3A_291 : f32 to vector<1x16384xf32>
    %select_n3A_293 = arith.select %eq3A_290, %broadcast_in_dim3A_292, %div3A_287 : vector<1x16384xi1>, vector<1x16384xf32>
    %mul3A_294 = arith.mulf %select_n3A_293, %select_n3A_293 : vector<1x16384xf32>
    %add3A_295 = arith.constant 1.000000e+00 : f32
    %add3A_296 = vector.broadcast %add3A_295 : f32 to vector<1x16384xf32>
    %add3A_297 = arith.addf %mul3A_294, %add3A_296 : vector<1x16384xf32>
    %rsqrt3A_298 = math.rsqrt %add3A_297 : vector<1x16384xf32>
    %mul3A_299 = arith.mulf %select_n3A_293, %rsqrt3A_298 : vector<1x16384xf32>
    %mul3A_300 = arith.mulf %select_n3A_293, %sub3A_252 : vector<1x16384xf32>
    %sub3A_301 = arith.subf %sub3A_247, %mul3A_300 : vector<1x16384xf32>
    %mul3A_302 = arith.mulf %select_n3A_293, %sub3A_252 : vector<1x16384xf32>
    %add3A_303 = arith.addf %add3A_195, %mul3A_302 : vector<1x16384xf32>
    %mul3A_304 = arith.mulf %rsqrt3A_298, %mul3A_258 : vector<1x16384xf32>
    %mul3A_305 = arith.mulf %mul3A_299, %add3A_255 : vector<1x16384xf32>
    %sub3A_306 = arith.subf %mul3A_304, %mul3A_305 : vector<1x16384xf32>
    %mul3A_307 = arith.mulf %mul3A_299, %mul3A_258 : vector<1x16384xf32>
    %mul3A_308 = arith.mulf %rsqrt3A_298, %add3A_255 : vector<1x16384xf32>
    %add3A_309 = arith.addf %mul3A_307, %mul3A_308 : vector<1x16384xf32>
    %mul3A_310 = arith.constant 0.000000e+00 : f32
    %mul3A_311 = vector.broadcast %mul3A_310 : f32 to vector<1x16384xf32>
    %mul3A_312 = arith.mulf %mul3A_311, %sub3A_252 : vector<1x16384xf32>
    %mul3A_313 = arith.constant 2.000000e+00 : f32
    %mul3A_314 = vector.broadcast %mul3A_313 : f32 to vector<1x16384xf32>
    %mul3A_315 = arith.mulf %mul3A_314, %add3A_309 : vector<1x16384xf32>
    %sub3A_316 = arith.subf %add3A_303, %add3A_249 : vector<1x16384xf32>
    %eq3A_317 = arith.constant 0.000000e+00 : f32
    %eq3A_318 = vector.broadcast %eq3A_317 : f32 to vector<1x16384xf32>
    %eq3A_319 = arith.cmpf oeq, %mul3A_315, %eq3A_318 : vector<1x16384xf32>
    %jit3A_320 = arith.constant 1.000000e+00 : f32
    %broadcast_in_dim3A_321 = vector.broadcast %jit3A_320 : f32 to vector<1x16384xf32>
    %select_n3A_322 = arith.select %eq3A_319, %broadcast_in_dim3A_321, %mul3A_315 : vector<1x16384xi1>, vector<1x16384xf32>
    %div3A_323 = arith.divf %sub3A_316, %select_n3A_322 : vector<1x16384xf32>
    %ge3A_324 = arith.constant 0.000000e+00 : f32
    %ge3A_325 = vector.broadcast %ge3A_324 : f32 to vector<1x16384xf32>
    %ge3A_326 = arith.cmpf oge, %div3A_323, %ge3A_325 : vector<1x16384xf32>
    %neg3A_327 = arith.constant 0.000000e+00 : f32
    %neg3A_328 = arith.constant 1.000000e+00 : f32
    %neg3A_329 = arith.subf %neg3A_327, %neg3A_328 : f32
    %jit3A_330 = arith.constant 1.000000e+00 : f32
    %broadcast_in_dim3A_331 = vector.broadcast %jit3A_330 : f32 to vector<1x16384xf32>
    %broadcast_in_dim3A_332 = vector.broadcast %neg3A_329 : f32 to vector<1x16384xf32>
    %select_n3A_333 = arith.select %ge3A_326, %broadcast_in_dim3A_331, %broadcast_in_dim3A_332 : vector<1x16384xi1>, vector<1x16384xf32>
    %abs3A_334 = math.absf %div3A_323 : vector<1x16384xf32>
    %mul3A_335 = arith.mulf %div3A_323, %div3A_323 : vector<1x16384xf32>
    %add3A_336 = arith.constant 1.000000e+00 : f32
    %add3A_337 = vector.broadcast %add3A_336 : f32 to vector<1x16384xf32>
    %add3A_338 = arith.addf %mul3A_335, %add3A_337 : vector<1x16384xf32>
    %sqrt3A_339 = math.sqrt %add3A_338 : vector<1x16384xf32>
    %add3A_340 = arith.addf %abs3A_334, %sqrt3A_339 : vector<1x16384xf32>
    %div3A_341 = arith.divf %select_n3A_333, %add3A_340 : vector<1x16384xf32>
    %eq3A_342 = arith.constant 0.000000e+00 : f32
    %eq3A_343 = vector.broadcast %eq3A_342 : f32 to vector<1x16384xf32>
    %eq3A_344 = arith.cmpf oeq, %add3A_309, %eq3A_343 : vector<1x16384xf32>
    %jit3A_345 = arith.constant 0.000000e+00 : f32
    %broadcast_in_dim3A_346 = vector.broadcast %jit3A_345 : f32 to vector<1x16384xf32>
    %select_n3A_347 = arith.select %eq3A_344, %broadcast_in_dim3A_346, %div3A_341 : vector<1x16384xi1>, vector<1x16384xf32>
    %mul3A_348 = arith.mulf %select_n3A_347, %select_n3A_347 : vector<1x16384xf32>
    %add3A_349 = arith.constant 1.000000e+00 : f32
    %add3A_350 = vector.broadcast %add3A_349 : f32 to vector<1x16384xf32>
    %add3A_351 = arith.addf %mul3A_348, %add3A_350 : vector<1x16384xf32>
    %rsqrt3A_352 = math.rsqrt %add3A_351 : vector<1x16384xf32>
    %mul3A_353 = arith.mulf %select_n3A_347, %rsqrt3A_352 : vector<1x16384xf32>
    %mul3A_354 = arith.mulf %select_n3A_347, %add3A_309 : vector<1x16384xf32>
    %sub3A_355 = arith.subf %add3A_249, %mul3A_354 : vector<1x16384xf32>
    %mul3A_356 = arith.mulf %select_n3A_347, %add3A_309 : vector<1x16384xf32>
    %add3A_357 = arith.addf %add3A_303, %mul3A_356 : vector<1x16384xf32>
    %mul3A_358 = arith.mulf %rsqrt3A_352, %sub3A_306 : vector<1x16384xf32>
    %mul3A_359 = arith.mulf %mul3A_353, %mul3A_312 : vector<1x16384xf32>
    %sub3A_360 = arith.subf %mul3A_358, %mul3A_359 : vector<1x16384xf32>
    %mul3A_361 = arith.mulf %mul3A_353, %sub3A_306 : vector<1x16384xf32>
    %mul3A_362 = arith.mulf %rsqrt3A_352, %mul3A_312 : vector<1x16384xf32>
    %add3A_363 = arith.addf %mul3A_361, %mul3A_362 : vector<1x16384xf32>
    %mul3A_364 = arith.constant 0.000000e+00 : f32
    %mul3A_365 = vector.broadcast %mul3A_364 : f32 to vector<1x16384xf32>
    %mul3A_366 = arith.mulf %mul3A_365, %add3A_309 : vector<1x16384xf32>
    %mul3A_367 = arith.constant 2.000000e+00 : f32
    %mul3A_368 = vector.broadcast %mul3A_367 : f32 to vector<1x16384xf32>
    %mul3A_369 = arith.mulf %mul3A_368, %sub3A_360 : vector<1x16384xf32>
    %sub3A_370 = arith.subf %sub3A_355, %sub3A_301 : vector<1x16384xf32>
    %eq3A_371 = arith.constant 0.000000e+00 : f32
    %eq3A_372 = vector.broadcast %eq3A_371 : f32 to vector<1x16384xf32>
    %eq3A_373 = arith.cmpf oeq, %mul3A_369, %eq3A_372 : vector<1x16384xf32>
    %jit3A_374 = arith.constant 1.000000e+00 : f32
    %broadcast_in_dim3A_375 = vector.broadcast %jit3A_374 : f32 to vector<1x16384xf32>
    %select_n3A_376 = arith.select %eq3A_373, %broadcast_in_dim3A_375, %mul3A_369 : vector<1x16384xi1>, vector<1x16384xf32>
    %div3A_377 = arith.divf %sub3A_370, %select_n3A_376 : vector<1x16384xf32>
    %ge3A_378 = arith.constant 0.000000e+00 : f32
    %ge3A_379 = vector.broadcast %ge3A_378 : f32 to vector<1x16384xf32>
    %ge3A_380 = arith.cmpf oge, %div3A_377, %ge3A_379 : vector<1x16384xf32>
    %neg3A_381 = arith.constant 0.000000e+00 : f32
    %neg3A_382 = arith.constant 1.000000e+00 : f32
    %neg3A_383 = arith.subf %neg3A_381, %neg3A_382 : f32
    %jit3A_384 = arith.constant 1.000000e+00 : f32
    %broadcast_in_dim3A_385 = vector.broadcast %jit3A_384 : f32 to vector<1x16384xf32>
    %broadcast_in_dim3A_386 = vector.broadcast %neg3A_383 : f32 to vector<1x16384xf32>
    %select_n3A_387 = arith.select %ge3A_380, %broadcast_in_dim3A_385, %broadcast_in_dim3A_386 : vector<1x16384xi1>, vector<1x16384xf32>
    %abs3A_388 = math.absf %div3A_377 : vector<1x16384xf32>
    %mul3A_389 = arith.mulf %div3A_377, %div3A_377 : vector<1x16384xf32>
    %add3A_390 = arith.constant 1.000000e+00 : f32
    %add3A_391 = vector.broadcast %add3A_390 : f32 to vector<1x16384xf32>
    %add3A_392 = arith.addf %mul3A_389, %add3A_391 : vector<1x16384xf32>
    %sqrt3A_393 = math.sqrt %add3A_392 : vector<1x16384xf32>
    %add3A_394 = arith.addf %abs3A_388, %sqrt3A_393 : vector<1x16384xf32>
    %div3A_395 = arith.divf %select_n3A_387, %add3A_394 : vector<1x16384xf32>
    %eq3A_396 = arith.constant 0.000000e+00 : f32
    %eq3A_397 = vector.broadcast %eq3A_396 : f32 to vector<1x16384xf32>
    %eq3A_398 = arith.cmpf oeq, %sub3A_360, %eq3A_397 : vector<1x16384xf32>
    %jit3A_399 = arith.constant 0.000000e+00 : f32
    %broadcast_in_dim3A_400 = vector.broadcast %jit3A_399 : f32 to vector<1x16384xf32>
    %select_n3A_401 = arith.select %eq3A_398, %broadcast_in_dim3A_400, %div3A_395 : vector<1x16384xi1>, vector<1x16384xf32>
    %mul3A_402 = arith.mulf %select_n3A_401, %select_n3A_401 : vector<1x16384xf32>
    %add3A_403 = arith.constant 1.000000e+00 : f32
    %add3A_404 = vector.broadcast %add3A_403 : f32 to vector<1x16384xf32>
    %add3A_405 = arith.addf %mul3A_402, %add3A_404 : vector<1x16384xf32>
    %rsqrt3A_406 = math.rsqrt %add3A_405 : vector<1x16384xf32>
    %mul3A_407 = arith.mulf %select_n3A_401, %rsqrt3A_406 : vector<1x16384xf32>
    %mul3A_408 = arith.mulf %select_n3A_401, %sub3A_360 : vector<1x16384xf32>
    %sub3A_409 = arith.subf %sub3A_301, %mul3A_408 : vector<1x16384xf32>
    %mul3A_410 = arith.mulf %select_n3A_401, %sub3A_360 : vector<1x16384xf32>
    %add3A_411 = arith.addf %sub3A_355, %mul3A_410 : vector<1x16384xf32>
    %mul3A_412 = arith.mulf %rsqrt3A_406, %add3A_363 : vector<1x16384xf32>
    %mul3A_413 = arith.mulf %mul3A_407, %mul3A_366 : vector<1x16384xf32>
    %sub3A_414 = arith.subf %mul3A_412, %mul3A_413 : vector<1x16384xf32>
    %mul3A_415 = arith.mulf %mul3A_407, %add3A_363 : vector<1x16384xf32>
    %mul3A_416 = arith.mulf %rsqrt3A_406, %mul3A_366 : vector<1x16384xf32>
    %add3A_417 = arith.addf %mul3A_415, %mul3A_416 : vector<1x16384xf32>
    %mul3A_418 = arith.constant 0.000000e+00 : f32
    %mul3A_419 = vector.broadcast %mul3A_418 : f32 to vector<1x16384xf32>
    %mul3A_420 = arith.mulf %mul3A_419, %sub3A_360 : vector<1x16384xf32>
    %mul3A_421 = arith.constant 2.000000e+00 : f32
    %mul3A_422 = vector.broadcast %mul3A_421 : f32 to vector<1x16384xf32>
    %mul3A_423 = arith.mulf %mul3A_422, %sub3A_414 : vector<1x16384xf32>
    %sub3A_424 = arith.subf %add3A_357, %sub3A_409 : vector<1x16384xf32>
    %eq3A_425 = arith.constant 0.000000e+00 : f32
    %eq3A_426 = vector.broadcast %eq3A_425 : f32 to vector<1x16384xf32>
    %eq3A_427 = arith.cmpf oeq, %mul3A_423, %eq3A_426 : vector<1x16384xf32>
    %jit3A_428 = arith.constant 1.000000e+00 : f32
    %broadcast_in_dim3A_429 = vector.broadcast %jit3A_428 : f32 to vector<1x16384xf32>
    %select_n3A_430 = arith.select %eq3A_427, %broadcast_in_dim3A_429, %mul3A_423 : vector<1x16384xi1>, vector<1x16384xf32>
    %div3A_431 = arith.divf %sub3A_424, %select_n3A_430 : vector<1x16384xf32>
    %ge3A_432 = arith.constant 0.000000e+00 : f32
    %ge3A_433 = vector.broadcast %ge3A_432 : f32 to vector<1x16384xf32>
    %ge3A_434 = arith.cmpf oge, %div3A_431, %ge3A_433 : vector<1x16384xf32>
    %neg3A_435 = arith.constant 0.000000e+00 : f32
    %neg3A_436 = arith.constant 1.000000e+00 : f32
    %neg3A_437 = arith.subf %neg3A_435, %neg3A_436 : f32
    %jit3A_438 = arith.constant 1.000000e+00 : f32
    %broadcast_in_dim3A_439 = vector.broadcast %jit3A_438 : f32 to vector<1x16384xf32>
    %broadcast_in_dim3A_440 = vector.broadcast %neg3A_437 : f32 to vector<1x16384xf32>
    %select_n3A_441 = arith.select %ge3A_434, %broadcast_in_dim3A_439, %broadcast_in_dim3A_440 : vector<1x16384xi1>, vector<1x16384xf32>
    %abs3A_442 = math.absf %div3A_431 : vector<1x16384xf32>
    %mul3A_443 = arith.mulf %div3A_431, %div3A_431 : vector<1x16384xf32>
    %add3A_444 = arith.constant 1.000000e+00 : f32
    %add3A_445 = vector.broadcast %add3A_444 : f32 to vector<1x16384xf32>
    %add3A_446 = arith.addf %mul3A_443, %add3A_445 : vector<1x16384xf32>
    %sqrt3A_447 = math.sqrt %add3A_446 : vector<1x16384xf32>
    %add3A_448 = arith.addf %abs3A_442, %sqrt3A_447 : vector<1x16384xf32>
    %div3A_449 = arith.divf %select_n3A_441, %add3A_448 : vector<1x16384xf32>
    %eq3A_450 = arith.constant 0.000000e+00 : f32
    %eq3A_451 = vector.broadcast %eq3A_450 : f32 to vector<1x16384xf32>
    %eq3A_452 = arith.cmpf oeq, %sub3A_414, %eq3A_451 : vector<1x16384xf32>
    %jit3A_453 = arith.constant 0.000000e+00 : f32
    %broadcast_in_dim3A_454 = vector.broadcast %jit3A_453 : f32 to vector<1x16384xf32>
    %select_n3A_455 = arith.select %eq3A_452, %broadcast_in_dim3A_454, %div3A_449 : vector<1x16384xi1>, vector<1x16384xf32>
    %mul3A_456 = arith.mulf %select_n3A_455, %select_n3A_455 : vector<1x16384xf32>
    %add3A_457 = arith.constant 1.000000e+00 : f32
    %add3A_458 = vector.broadcast %add3A_457 : f32 to vector<1x16384xf32>
    %add3A_459 = arith.addf %mul3A_456, %add3A_458 : vector<1x16384xf32>
    %rsqrt3A_460 = math.rsqrt %add3A_459 : vector<1x16384xf32>
    %mul3A_461 = arith.mulf %select_n3A_455, %rsqrt3A_460 : vector<1x16384xf32>
    %mul3A_462 = arith.mulf %select_n3A_455, %sub3A_414 : vector<1x16384xf32>
    %sub3A_463 = arith.subf %sub3A_409, %mul3A_462 : vector<1x16384xf32>
    %mul3A_464 = arith.mulf %select_n3A_455, %sub3A_414 : vector<1x16384xf32>
    %add3A_465 = arith.addf %add3A_357, %mul3A_464 : vector<1x16384xf32>
    %mul3A_466 = arith.mulf %rsqrt3A_460, %mul3A_420 : vector<1x16384xf32>
    %mul3A_467 = arith.mulf %mul3A_461, %add3A_417 : vector<1x16384xf32>
    %sub3A_468 = arith.subf %mul3A_466, %mul3A_467 : vector<1x16384xf32>
    %mul3A_469 = arith.mulf %mul3A_461, %mul3A_420 : vector<1x16384xf32>
    %mul3A_470 = arith.mulf %rsqrt3A_460, %add3A_417 : vector<1x16384xf32>
    %add3A_471 = arith.addf %mul3A_469, %mul3A_470 : vector<1x16384xf32>
    %mul3A_472 = arith.constant 0.000000e+00 : f32
    %mul3A_473 = vector.broadcast %mul3A_472 : f32 to vector<1x16384xf32>
    %mul3A_474 = arith.mulf %mul3A_473, %sub3A_414 : vector<1x16384xf32>
    %mul3A_475 = arith.constant 2.000000e+00 : f32
    %mul3A_476 = vector.broadcast %mul3A_475 : f32 to vector<1x16384xf32>
    %mul3A_477 = arith.mulf %mul3A_476, %add3A_471 : vector<1x16384xf32>
    %sub3A_478 = arith.subf %add3A_465, %add3A_411 : vector<1x16384xf32>
    %eq3A_479 = arith.constant 0.000000e+00 : f32
    %eq3A_480 = vector.broadcast %eq3A_479 : f32 to vector<1x16384xf32>
    %eq3A_481 = arith.cmpf oeq, %mul3A_477, %eq3A_480 : vector<1x16384xf32>
    %jit3A_482 = arith.constant 1.000000e+00 : f32
    %broadcast_in_dim3A_483 = vector.broadcast %jit3A_482 : f32 to vector<1x16384xf32>
    %select_n3A_484 = arith.select %eq3A_481, %broadcast_in_dim3A_483, %mul3A_477 : vector<1x16384xi1>, vector<1x16384xf32>
    %div3A_485 = arith.divf %sub3A_478, %select_n3A_484 : vector<1x16384xf32>
    %ge3A_486 = arith.constant 0.000000e+00 : f32
    %ge3A_487 = vector.broadcast %ge3A_486 : f32 to vector<1x16384xf32>
    %ge3A_488 = arith.cmpf oge, %div3A_485, %ge3A_487 : vector<1x16384xf32>
    %neg3A_489 = arith.constant 0.000000e+00 : f32
    %neg3A_490 = arith.constant 1.000000e+00 : f32
    %neg3A_491 = arith.subf %neg3A_489, %neg3A_490 : f32
    %jit3A_492 = arith.constant 1.000000e+00 : f32
    %broadcast_in_dim3A_493 = vector.broadcast %jit3A_492 : f32 to vector<1x16384xf32>
    %broadcast_in_dim3A_494 = vector.broadcast %neg3A_491 : f32 to vector<1x16384xf32>
    %select_n3A_495 = arith.select %ge3A_488, %broadcast_in_dim3A_493, %broadcast_in_dim3A_494 : vector<1x16384xi1>, vector<1x16384xf32>
    %abs3A_496 = math.absf %div3A_485 : vector<1x16384xf32>
    %mul3A_497 = arith.mulf %div3A_485, %div3A_485 : vector<1x16384xf32>
    %add3A_498 = arith.constant 1.000000e+00 : f32
    %add3A_499 = vector.broadcast %add3A_498 : f32 to vector<1x16384xf32>
    %add3A_500 = arith.addf %mul3A_497, %add3A_499 : vector<1x16384xf32>
    %sqrt3A_501 = math.sqrt %add3A_500 : vector<1x16384xf32>
    %add3A_502 = arith.addf %abs3A_496, %sqrt3A_501 : vector<1x16384xf32>
    %div3A_503 = arith.divf %select_n3A_495, %add3A_502 : vector<1x16384xf32>
    %eq3A_504 = arith.constant 0.000000e+00 : f32
    %eq3A_505 = vector.broadcast %eq3A_504 : f32 to vector<1x16384xf32>
    %eq3A_506 = arith.cmpf oeq, %add3A_471, %eq3A_505 : vector<1x16384xf32>
    %jit3A_507 = arith.constant 0.000000e+00 : f32
    %broadcast_in_dim3A_508 = vector.broadcast %jit3A_507 : f32 to vector<1x16384xf32>
    %select_n3A_509 = arith.select %eq3A_506, %broadcast_in_dim3A_508, %div3A_503 : vector<1x16384xi1>, vector<1x16384xf32>
    %mul3A_510 = arith.mulf %select_n3A_509, %select_n3A_509 : vector<1x16384xf32>
    %add3A_511 = arith.constant 1.000000e+00 : f32
    %add3A_512 = vector.broadcast %add3A_511 : f32 to vector<1x16384xf32>
    %add3A_513 = arith.addf %mul3A_510, %add3A_512 : vector<1x16384xf32>
    %rsqrt3A_514 = math.rsqrt %add3A_513 : vector<1x16384xf32>
    %mul3A_515 = arith.mulf %select_n3A_509, %rsqrt3A_514 : vector<1x16384xf32>
    %mul3A_516 = arith.mulf %select_n3A_509, %add3A_471 : vector<1x16384xf32>
    %sub3A_517 = arith.subf %add3A_411, %mul3A_516 : vector<1x16384xf32>
    %mul3A_518 = arith.mulf %select_n3A_509, %add3A_471 : vector<1x16384xf32>
    %add3A_519 = arith.addf %add3A_465, %mul3A_518 : vector<1x16384xf32>
    %mul3A_520 = arith.mulf %rsqrt3A_514, %sub3A_468 : vector<1x16384xf32>
    %mul3A_521 = arith.mulf %mul3A_515, %mul3A_474 : vector<1x16384xf32>
    %sub3A_522 = arith.subf %mul3A_520, %mul3A_521 : vector<1x16384xf32>
    %mul3A_523 = arith.mulf %mul3A_515, %sub3A_468 : vector<1x16384xf32>
    %mul3A_524 = arith.mulf %rsqrt3A_514, %mul3A_474 : vector<1x16384xf32>
    %add3A_525 = arith.addf %mul3A_523, %mul3A_524 : vector<1x16384xf32>
    %mul3A_526 = arith.constant 0.000000e+00 : f32
    %mul3A_527 = vector.broadcast %mul3A_526 : f32 to vector<1x16384xf32>
    %mul3A_528 = arith.mulf %mul3A_527, %add3A_471 : vector<1x16384xf32>
    %mul3A_529 = arith.constant 2.000000e+00 : f32
    %mul3A_530 = vector.broadcast %mul3A_529 : f32 to vector<1x16384xf32>
    %mul3A_531 = arith.mulf %mul3A_530, %sub3A_522 : vector<1x16384xf32>
    %sub3A_532 = arith.subf %sub3A_517, %sub3A_463 : vector<1x16384xf32>
    %eq3A_533 = arith.constant 0.000000e+00 : f32
    %eq3A_534 = vector.broadcast %eq3A_533 : f32 to vector<1x16384xf32>
    %eq3A_535 = arith.cmpf oeq, %mul3A_531, %eq3A_534 : vector<1x16384xf32>
    %jit3A_536 = arith.constant 1.000000e+00 : f32
    %broadcast_in_dim3A_537 = vector.broadcast %jit3A_536 : f32 to vector<1x16384xf32>
    %select_n3A_538 = arith.select %eq3A_535, %broadcast_in_dim3A_537, %mul3A_531 : vector<1x16384xi1>, vector<1x16384xf32>
    %div3A_539 = arith.divf %sub3A_532, %select_n3A_538 : vector<1x16384xf32>
    %ge3A_540 = arith.constant 0.000000e+00 : f32
    %ge3A_541 = vector.broadcast %ge3A_540 : f32 to vector<1x16384xf32>
    %ge3A_542 = arith.cmpf oge, %div3A_539, %ge3A_541 : vector<1x16384xf32>
    %neg3A_543 = arith.constant 0.000000e+00 : f32
    %neg3A_544 = arith.constant 1.000000e+00 : f32
    %neg3A_545 = arith.subf %neg3A_543, %neg3A_544 : f32
    %jit3A_546 = arith.constant 1.000000e+00 : f32
    %broadcast_in_dim3A_547 = vector.broadcast %jit3A_546 : f32 to vector<1x16384xf32>
    %broadcast_in_dim3A_548 = vector.broadcast %neg3A_545 : f32 to vector<1x16384xf32>
    %select_n3A_549 = arith.select %ge3A_542, %broadcast_in_dim3A_547, %broadcast_in_dim3A_548 : vector<1x16384xi1>, vector<1x16384xf32>
    %abs3A_550 = math.absf %div3A_539 : vector<1x16384xf32>
    %mul3A_551 = arith.mulf %div3A_539, %div3A_539 : vector<1x16384xf32>
    %add3A_552 = arith.constant 1.000000e+00 : f32
    %add3A_553 = vector.broadcast %add3A_552 : f32 to vector<1x16384xf32>
    %add3A_554 = arith.addf %mul3A_551, %add3A_553 : vector<1x16384xf32>
    %sqrt3A_555 = math.sqrt %add3A_554 : vector<1x16384xf32>
    %add3A_556 = arith.addf %abs3A_550, %sqrt3A_555 : vector<1x16384xf32>
    %div3A_557 = arith.divf %select_n3A_549, %add3A_556 : vector<1x16384xf32>
    %eq3A_558 = arith.constant 0.000000e+00 : f32
    %eq3A_559 = vector.broadcast %eq3A_558 : f32 to vector<1x16384xf32>
    %eq3A_560 = arith.cmpf oeq, %sub3A_522, %eq3A_559 : vector<1x16384xf32>
    %jit3A_561 = arith.constant 0.000000e+00 : f32
    %broadcast_in_dim3A_562 = vector.broadcast %jit3A_561 : f32 to vector<1x16384xf32>
    %select_n3A_563 = arith.select %eq3A_560, %broadcast_in_dim3A_562, %div3A_557 : vector<1x16384xi1>, vector<1x16384xf32>
    %mul3A_564 = arith.mulf %select_n3A_563, %select_n3A_563 : vector<1x16384xf32>
    %add3A_565 = arith.constant 1.000000e+00 : f32
    %add3A_566 = vector.broadcast %add3A_565 : f32 to vector<1x16384xf32>
    %add3A_567 = arith.addf %mul3A_564, %add3A_566 : vector<1x16384xf32>
    %rsqrt3A_568 = math.rsqrt %add3A_567 : vector<1x16384xf32>
    %mul3A_569 = arith.mulf %select_n3A_563, %rsqrt3A_568 : vector<1x16384xf32>
    %mul3A_570 = arith.mulf %select_n3A_563, %sub3A_522 : vector<1x16384xf32>
    %sub3A_571 = arith.subf %sub3A_463, %mul3A_570 : vector<1x16384xf32>
    %mul3A_572 = arith.mulf %select_n3A_563, %sub3A_522 : vector<1x16384xf32>
    %add3A_573 = arith.addf %sub3A_517, %mul3A_572 : vector<1x16384xf32>
    %mul3A_574 = arith.mulf %rsqrt3A_568, %add3A_525 : vector<1x16384xf32>
    %mul3A_575 = arith.mulf %mul3A_569, %mul3A_528 : vector<1x16384xf32>
    %sub3A_576 = arith.subf %mul3A_574, %mul3A_575 : vector<1x16384xf32>
    %mul3A_577 = arith.mulf %mul3A_569, %add3A_525 : vector<1x16384xf32>
    %mul3A_578 = arith.mulf %rsqrt3A_568, %mul3A_528 : vector<1x16384xf32>
    %add3A_579 = arith.addf %mul3A_577, %mul3A_578 : vector<1x16384xf32>
    %mul3A_580 = arith.constant 0.000000e+00 : f32
    %mul3A_581 = vector.broadcast %mul3A_580 : f32 to vector<1x16384xf32>
    %mul3A_582 = arith.mulf %mul3A_581, %sub3A_522 : vector<1x16384xf32>
    %mul3A_583 = arith.constant 2.000000e+00 : f32
    %mul3A_584 = vector.broadcast %mul3A_583 : f32 to vector<1x16384xf32>
    %mul3A_585 = arith.mulf %mul3A_584, %sub3A_576 : vector<1x16384xf32>
    %sub3A_586 = arith.subf %add3A_519, %sub3A_571 : vector<1x16384xf32>
    %eq3A_587 = arith.constant 0.000000e+00 : f32
    %eq3A_588 = vector.broadcast %eq3A_587 : f32 to vector<1x16384xf32>
    %eq3A_589 = arith.cmpf oeq, %mul3A_585, %eq3A_588 : vector<1x16384xf32>
    %jit3A_590 = arith.constant 1.000000e+00 : f32
    %broadcast_in_dim3A_591 = vector.broadcast %jit3A_590 : f32 to vector<1x16384xf32>
    %select_n3A_592 = arith.select %eq3A_589, %broadcast_in_dim3A_591, %mul3A_585 : vector<1x16384xi1>, vector<1x16384xf32>
    %div3A_593 = arith.divf %sub3A_586, %select_n3A_592 : vector<1x16384xf32>
    %ge3A_594 = arith.constant 0.000000e+00 : f32
    %ge3A_595 = vector.broadcast %ge3A_594 : f32 to vector<1x16384xf32>
    %ge3A_596 = arith.cmpf oge, %div3A_593, %ge3A_595 : vector<1x16384xf32>
    %neg3A_597 = arith.constant 0.000000e+00 : f32
    %neg3A_598 = arith.constant 1.000000e+00 : f32
    %neg3A_599 = arith.subf %neg3A_597, %neg3A_598 : f32
    %jit3A_600 = arith.constant 1.000000e+00 : f32
    %broadcast_in_dim3A_601 = vector.broadcast %jit3A_600 : f32 to vector<1x16384xf32>
    %broadcast_in_dim3A_602 = vector.broadcast %neg3A_599 : f32 to vector<1x16384xf32>
    %select_n3A_603 = arith.select %ge3A_596, %broadcast_in_dim3A_601, %broadcast_in_dim3A_602 : vector<1x16384xi1>, vector<1x16384xf32>
    %abs3A_604 = math.absf %div3A_593 : vector<1x16384xf32>
    %mul3A_605 = arith.mulf %div3A_593, %div3A_593 : vector<1x16384xf32>
    %add3A_606 = arith.constant 1.000000e+00 : f32
    %add3A_607 = vector.broadcast %add3A_606 : f32 to vector<1x16384xf32>
    %add3A_608 = arith.addf %mul3A_605, %add3A_607 : vector<1x16384xf32>
    %sqrt3A_609 = math.sqrt %add3A_608 : vector<1x16384xf32>
    %add3A_610 = arith.addf %abs3A_604, %sqrt3A_609 : vector<1x16384xf32>
    %div3A_611 = arith.divf %select_n3A_603, %add3A_610 : vector<1x16384xf32>
    %eq3A_612 = arith.constant 0.000000e+00 : f32
    %eq3A_613 = vector.broadcast %eq3A_612 : f32 to vector<1x16384xf32>
    %eq3A_614 = arith.cmpf oeq, %sub3A_576, %eq3A_613 : vector<1x16384xf32>
    %jit3A_615 = arith.constant 0.000000e+00 : f32
    %broadcast_in_dim3A_616 = vector.broadcast %jit3A_615 : f32 to vector<1x16384xf32>
    %select_n3A_617 = arith.select %eq3A_614, %broadcast_in_dim3A_616, %div3A_611 : vector<1x16384xi1>, vector<1x16384xf32>
    %mul3A_618 = arith.mulf %select_n3A_617, %select_n3A_617 : vector<1x16384xf32>
    %add3A_619 = arith.constant 1.000000e+00 : f32
    %add3A_620 = vector.broadcast %add3A_619 : f32 to vector<1x16384xf32>
    %add3A_621 = arith.addf %mul3A_618, %add3A_620 : vector<1x16384xf32>
    %rsqrt3A_622 = math.rsqrt %add3A_621 : vector<1x16384xf32>
    %mul3A_623 = arith.mulf %select_n3A_617, %rsqrt3A_622 : vector<1x16384xf32>
    %mul3A_624 = arith.mulf %select_n3A_617, %sub3A_576 : vector<1x16384xf32>
    %sub3A_625 = arith.subf %sub3A_571, %mul3A_624 : vector<1x16384xf32>
    %mul3A_626 = arith.mulf %select_n3A_617, %sub3A_576 : vector<1x16384xf32>
    %add3A_627 = arith.addf %add3A_519, %mul3A_626 : vector<1x16384xf32>
    %mul3A_628 = arith.mulf %mul3A_623, %mul3A_582 : vector<1x16384xf32>
    %mul3A_629 = arith.mulf %rsqrt3A_622, %add3A_579 : vector<1x16384xf32>
    %add3A_630 = arith.addf %mul3A_628, %mul3A_629 : vector<1x16384xf32>
    %mul3A_631 = arith.constant 2.000000e+00 : f32
    %mul3A_632 = vector.broadcast %mul3A_631 : f32 to vector<1x16384xf32>
    %mul3A_633 = arith.mulf %mul3A_632, %add3A_630 : vector<1x16384xf32>
    %sub3A_634 = arith.subf %add3A_627, %add3A_573 : vector<1x16384xf32>
    %eq3A_635 = arith.constant 0.000000e+00 : f32
    %eq3A_636 = vector.broadcast %eq3A_635 : f32 to vector<1x16384xf32>
    %eq3A_637 = arith.cmpf oeq, %mul3A_633, %eq3A_636 : vector<1x16384xf32>
    %jit3A_638 = arith.constant 1.000000e+00 : f32
    %broadcast_in_dim3A_639 = vector.broadcast %jit3A_638 : f32 to vector<1x16384xf32>
    %select_n3A_640 = arith.select %eq3A_637, %broadcast_in_dim3A_639, %mul3A_633 : vector<1x16384xi1>, vector<1x16384xf32>
    %div3A_641 = arith.divf %sub3A_634, %select_n3A_640 : vector<1x16384xf32>
    %ge3A_642 = arith.constant 0.000000e+00 : f32
    %ge3A_643 = vector.broadcast %ge3A_642 : f32 to vector<1x16384xf32>
    %ge3A_644 = arith.cmpf oge, %div3A_641, %ge3A_643 : vector<1x16384xf32>
    %neg3A_645 = arith.constant 0.000000e+00 : f32
    %neg3A_646 = arith.constant 1.000000e+00 : f32
    %neg3A_647 = arith.subf %neg3A_645, %neg3A_646 : f32
    %jit3A_648 = arith.constant 1.000000e+00 : f32
    %broadcast_in_dim3A_649 = vector.broadcast %jit3A_648 : f32 to vector<1x16384xf32>
    %broadcast_in_dim3A_650 = vector.broadcast %neg3A_647 : f32 to vector<1x16384xf32>
    %select_n3A_651 = arith.select %ge3A_644, %broadcast_in_dim3A_649, %broadcast_in_dim3A_650 : vector<1x16384xi1>, vector<1x16384xf32>
    %abs3A_652 = math.absf %div3A_641 : vector<1x16384xf32>
    %mul3A_653 = arith.mulf %div3A_641, %div3A_641 : vector<1x16384xf32>
    %add3A_654 = arith.constant 1.000000e+00 : f32
    %add3A_655 = vector.broadcast %add3A_654 : f32 to vector<1x16384xf32>
    %add3A_656 = arith.addf %mul3A_653, %add3A_655 : vector<1x16384xf32>
    %sqrt3A_657 = math.sqrt %add3A_656 : vector<1x16384xf32>
    %add3A_658 = arith.addf %abs3A_652, %sqrt3A_657 : vector<1x16384xf32>
    %div3A_659 = arith.divf %select_n3A_651, %add3A_658 : vector<1x16384xf32>
    %eq3A_660 = arith.constant 0.000000e+00 : f32
    %eq3A_661 = vector.broadcast %eq3A_660 : f32 to vector<1x16384xf32>
    %eq3A_662 = arith.cmpf oeq, %add3A_630, %eq3A_661 : vector<1x16384xf32>
    %jit3A_663 = arith.constant 0.000000e+00 : f32
    %broadcast_in_dim3A_664 = vector.broadcast %jit3A_663 : f32 to vector<1x16384xf32>
    %select_n3A_665 = arith.select %eq3A_662, %broadcast_in_dim3A_664, %div3A_659 : vector<1x16384xi1>, vector<1x16384xf32>
    %mul3A_666 = arith.mulf %select_n3A_665, %add3A_630 : vector<1x16384xf32>
    %sub3A_667 = arith.subf %add3A_573, %mul3A_666 : vector<1x16384xf32>
    %mul3A_668 = arith.mulf %select_n3A_665, %add3A_630 : vector<1x16384xf32>
    %add3A_669 = arith.addf %add3A_627, %mul3A_668 : vector<1x16384xf32>
    %max3A = arith.maximumf %sub3A_625, %sub3A_667 : vector<1x16384xf32>
    %max3A_670 = arith.maximumf %max3A, %add3A_669 : vector<1x16384xf32>
    %min3A = arith.minimumf %sub3A_625, %sub3A_667 : vector<1x16384xf32>
    %min3A_671 = arith.minimumf %min3A, %add3A_669 : vector<1x16384xf32>
    %add3A_672 = arith.addf %sub3A_625, %sub3A_667 : vector<1x16384xf32>
    %add3A_673 = arith.addf %add3A_672, %add3A_669 : vector<1x16384xf32>
    %sub3A_674 = arith.subf %add3A_673, %max3A_670 : vector<1x16384xf32>
    %sub3A_675 = arith.subf %sub3A_674, %min3A_671 : vector<1x16384xf32>
    %swap3A = arith.constant 0 : index
    %swap3A_676 = arith.constant 0 : index
    %swap3A_677 = vector.load %arg1[%swap3A, %swap3A_676] : memref<3x16384xf32, #tpu.memory_space<vmem>>, vector<1x16384xf32>
    tpu.vector_store %arg1[%swap3A, %swap3A_676], %max3A_670 {strides = array<i32>} : memref<3x16384xf32, #tpu.memory_space<vmem>>, vector<1x16384xf32>,
    %swap3A_678 = arith.constant 1 : index
    %swap3A_679 = arith.constant 0 : index
    %swap3A_680 = vector.load %arg1[%swap3A_678, %swap3A_679] : memref<3x16384xf32, #tpu.memory_space<vmem>>, vector<1x16384xf32>
    tpu.vector_store %arg1[%swap3A_678, %swap3A_679], %sub3A_675 {strides = array<i32>} : memref<3x16384xf32, #tpu.memory_space<vmem>>, vector<1x16384xf32>,
    %swap3A_681 = arith.constant 2 : index
    %swap3A_682 = arith.constant 0 : index
    %swap3A_683 = vector.load %arg1[%swap3A_681, %swap3A_682] : memref<3x16384xf32, #tpu.memory_space<vmem>>, vector<1x16384xf32>
    tpu.vector_store %arg1[%swap3A_681, %swap3A_682], %min3A_671 {strides = array<i32>} : memref<3x16384xf32, #tpu.memory_space<vmem>>, vector<1x16384xf32>,
    return
  }
}

</mosaic_0001>

<sc_bundles>
// kernel: kernel.4.cloned.1.call-start
scs
__scs_entry_jumppad:
0x0: {  	(pc) =	sbr.rel $0x88, $3  }
0x1: {  	(tag) =	ssettag $0x0;
	lr =	simm.s32 $0x1  }
0x2: {  	[smem:$0x3F9F] =	sst lr;
	_ =	strace $0xD0000000  }
0x3: {  	_ = 	snop  }
0x4: {  	_ = 	snop  }
0x5: {  	_ = 	snop  }
0x6: {  	_ = 	snop  }
0x7: {  	_ = 	snop  }
__scs_overlays_trampoline_lowered:
0x8: {  	[smem:$0x3FAE] =	sst s0  }
0x9: {  	[smem:$0x3FAF] =	sst s1  }
0xa: {  	[smem:$0x3FB0] =	sst s2  }
0xb: {  	[smem:$0x3FB1] =	sst s3  }
0xc: {  	[smem:$0x3FB2] =	sst s4  }
0xd: {  	[smem:$0x3FB3] =	sst s5  }
0xe: {  	[smem:$0x3FB4] =	sst s6  }
0xf: {  	[smem:$0x3FB5] =	sst s7  }
0x10: {  	[smem:$0x3FB6] =	sst s8  }
0x11: {  	[smem:$0x3FB7] =	sst s9;
	s0 =	simm.s32 @!p0 $0x0  }
0x12: {  	s1 =	sld [smem:$0x3F9D];
	s0 =	simm.s32 @p0 $0x1  }
0x13: {  	[smem:$0x3FB8] =	sst s0;
	s0 =	simm.s32 @!p1 $0x0  }
0x14: {  	s2 =	sld [smem:$0x3F9C];
	s0 =	simm.s32 @p1 $0x1  }
0x15: {  	[smem:$0x3FB9] =	sst s0;
	s0 =	simm.s32 @!p2 $0x0  }
0x16: {  	s3 =	sld [smem:$0x3FDB];
	s0 =	simm.s32 @p2 $0x1  }
0x17: {  	s4 =	simm.s32 $0x1BF5;
	[smem:$0x3FBB] =	sst s0  }
0x18: {  	s0 =	sld [smem:$0x3F9E];
	_ =	swait.ge [sflag:s4], $0x0  }
0x19: {  	s7 =	sld [smem:$0x3F9F]  }
0x1a: {  	s8 =	sadd.s32 $0xFFFFE003, lr  }
0x1b: {  	s9 =	sadd.s32 $0xFFFFFEF7, lr;
	s5 =	simm.s32 $0xFFFFFFFF;
	p2 =	slt.u32 s8, $0xFFFFF086  }
0x1c: {  	p1 =	slt.u32 s9, $0xF7A;
	s5 =	simm.s32 @!p2 $0x0  }
0x1d: {  	s5 =	simm.s32 @p1 $0x1;
	p0 =	seq.s32 s7, s2  }
0x1e: {  	s7 =	smul.u32 @!p0 $0xF7A, s2;
	p2 =	seq.s32 @!p0 s5, $0x0  }
0x1f: {  	s9 =	smul.u32 $0xF7A, s1;
	s8 =	simm.s32 @!p0 $0x1BF5;
	p2 =	por !p2, p0  }
0x20: {  	[sflag:s8] =	ssyncset.s32 @!p0 $0xFFFFF086;
	s6 =	sadd.s32 @!p0 s3, s7;
	s7 =	simm.s32 @!p0 $0x108  }
0x21: {  	s3 =	sadd.s32 s3, s9;
	s6 =	sadd.s32 @!p0 $0x88, s6;
	s7 =	simm.s32 @p2 $0x1082  }
0x22: {  	[simem:s7], [sflag:s8] =	dma.local @!p0 [hbm:s6], $0xF7A  }
0x23: {  	s9 =	sor.u32 $0xD0000000, s2;
	s6 =	simm.s32 $0x108;
	_ =	swait.ge @!p0 [sflag:s8], $0x0  }
0x24: {  	s3 =	sadd.s32 $0x88, s3;
	s6 =	simm.s32 @!p1 $0x1082;
	[sflag:s4] =	ssyncset.s32 $0xFFFFF086  }
0x25: {  	[simem:s6], [sflag:s4] =	dma.local [hbm:s3], $0xF7A  }
0x26: {  	[smem:$0x3F9F] =	sst s1;
	(tag) =	ssettag s2;
	_ =	strace s9  }
0x27: {  	s1 =	sld [smem:$0x3FAF]  }
0x28: {  	s2 =	sld [smem:$0x3FB0]  }
0x29: {  	s4 =	sld [smem:$0x3FB2]  }
0x2a: {  	p0 =	seq.s32 s5, $0x0;
	s5 =	sld [smem:$0x3FB3]  }
0x2b: {  	s6 =	sld [smem:$0x3FB4]  }
0x2c: {  	s7 =	sld [smem:$0x3FB5]  }
0x2d: {  	s3 =	simm.s32 $0x108;
	s8 =	sld [smem:$0x3FB6]  }
0x2e: {  	s3 =	simm.s32 @!p0 $0x1082;
	s9 =	sld [smem:$0x3FB7]  }
0x2f: {  	lr =	sadd.s32 s0, s3;
	s0 =	sld [smem:$0x3FAE]  }
0x30: {  	s3 =	sld [smem:$0x3FB1]  }
0x31: {  	[smem:$0x3FBA] =	sst s10  }
0x32: {  	s10 =	sld [smem:$0x3FB8];
	_ =	sdelay $0x3  }
0x33: {  	p0 =	seq.s32 s10, $0x1;
	s10 =	sld [smem:$0x3FBA];
	_ =	sdelay $0x3  }
0x34: {  	[smem:$0x3FBA] =	sst s10  }
0x35: {  	s10 =	sld [smem:$0x3FB9];
	_ =	sdelay $0x3  }
0x36: {  	p1 =	seq.s32 s10, $0x1;
	s10 =	sld [smem:$0x3FBA];
	_ =	sdelay $0x3  }
0x37: {  	[smem:$0x3FBA] =	sst s10  }
0x38: {  	s10 =	sld [smem:$0x3FBB]  }
0x39: {  	_ = 	snop;
	(pc) =	sbr.ind lr, $3  }
0x3a: {  	_ = 	snop  }
0x3b: {  	_ = 	snop  }
0x3c: {  	p2 =	seq.s32 s10, $0x1;
	s10 =	sld [smem:$0x3FBA]  }
0x3d: {  	_ =	shalt  }
0x3e: {  	_ =	shalt  }
0x3f: {  	_ =	shalt  }
0x40: {  	_ =	shalt  }
0x41: {  	_ =	shalt  }
0x42: {  	_ =	shalt  }
0x43: {  	_ =	shalt  }
0x44: {  	_ =	shalt  }
0x45: {  	_ =	shalt  }
0x46: {  	_ =	shalt  }
0x47: {  	_ =	shalt  }
0x48: {  	_ =	shalt  }
0x49: {  	_ =	shalt  }
0x4a: {  	_ =	shalt  }
0x4b: {  	_ =	shalt  }
0x4c: {  	_ =	shalt  }
0x4d: {  	_ =	shalt  }
0x4e: {  	_ =	shalt  }
0x4f: {  	_ =	shalt  }
0x50: {  	_ =	shalt  }
0x51: {  	_ =	shalt  }
0x52: {  	_ =	shalt  }
0x53: {  	_ =	shalt  }
0x54: {  	_ =	shalt  }
0x55: {  	_ =	shalt  }
0x56: {  	_ =	shalt  }
0x57: {  	_ =	shalt  }
0x58: {  	_ =	shalt  }
0x59: {  	_ =	shalt  }
0x5a: {  	_ =	shalt  }
0x5b: {  	_ =	shalt  }
0x5c: {  	_ =	shalt  }
0x5d: {  	_ =	shalt  }
0x5e: {  	_ =	shalt  }
0x5f: {  	_ =	shalt  }
0x60: {  	_ =	shalt  }
0x61: {  	_ =	shalt  }
0x62: {  	_ =	shalt  }
0x63: {  	_ =	shalt  }
0x64: {  	_ =	shalt  }
0x65: {  	_ =	shalt  }
0x66: {  	_ =	shalt  }
0x67: {  	_ =	shalt  }
0x68: {  	_ =	shalt  }
0x69: {  	_ =	shalt  }
0x6a: {  	_ =	shalt  }
0x6b: {  	_ =	shalt  }
0x6c: {  	_ =	shalt  }
0x6d: {  	_ =	shalt  }
0x6e: {  	_ =	shalt  }
0x6f: {  	_ =	shalt  }
0x70: {  	_ =	shalt  }
0x71: {  	_ =	shalt  }
0x72: {  	_ =	shalt  }
0x73: {  	_ =	shalt  }
0x74: {  	_ =	shalt  }
0x75: {  	_ =	shalt  }
0x76: {  	_ =	shalt  }
0x77: {  	_ =	shalt  }
0x78: {  	_ =	shalt  }
0x79: {  	_ =	shalt  }
0x7a: {  	_ =	shalt  }
0x7b: {  	_ =	shalt  }
0x7c: {  	_ =	shalt  }
0x7d: {  	_ =	shalt  }
0x7e: {  	_ =	shalt  }
0x7f: {  	_ =	shalt  }
0x80: {  	_ =	shalt  }
0x81: {  	_ =	shalt  }
0x82: {  	_ =	shalt  }
0x83: {  	_ =	shalt  }
0x84: {  	_ =	shalt  }
0x85: {  	_ =	shalt  }
0x86: {  	_ =	shalt  }
0x87: {  	_ =	shalt  }
.Lfunc_end0:
.L_simem_size_0:
called_computation_lowered:
.L_overlay_start_0:
0x88: {  	s2 =	sld [smem:$0x3FD9]  }
0x89: {  	s3 =	sld [smem:$0x3FFE];
	_ =	sdelay $0x1  }
0x8a: {  	s1 =	srdreg.scid  }
0x8b: {  	s0 =	sand.u32 $0x1, s1  }
0x8c: {  	s17 =	sshll.u32 s0, $0xA;
	s2 =	sadd.s32 s3, s2  }
0x8d: {  	s2 =	sadd.s32 s2, s17  }
0x8e: {  	[smem:$0x3FC6] =	sst s2  }
0x8f: {  	_ = 	snop  }
0x90: {  	s2 =	sld [smem:$0x3FD0];
	(tm) =	ssettm $0x1  }
0x91: {  	s18 =	sld [smem:$0x3FFB];
	_ =	sdelay $0x3  }
0x92: {  	_ =	strace s18  }
0x93: {  	s3 =	sld [smem:$0x3FFC];
	_ =	sdelay $0x3  }
0x94: {  	_ =	strace s3  }
0x95: {  	s3 =	sld [smem:$0x3FFD];
	_ =	sdelay $0x3  }
0x96: {  	_ =	strace s3  }
0x97: {  	_ =	strace $0x8FFFFFFF  }
0x98: {  	s19 =	sld [smem:$0x3FDB];
	_ =	sdelay $0x1  }
0x99: {  	s4 =	simm.s32 $_scs_section_size  }
0x9a: {  	s5 =	simm.s32 $_size__tile_overlayer_lowered;
	s6 =	simm.s32 $_tile_overlayer_lowered  }
0x9b: {  	s22 =	simm.s32 $0x1BFF;
	s21 =	sshll.u32 s6, $0x1;
	s3 =	sadd.s32 s4, s19  }
0x9c: {  	s7 =	simm.s32 $0x0;
	s20 =	sshll.u32 s5, $0x1;
	s5 =	sadd.s32 s21, s3  }
0x9d: {  	[timem:s7], [sflag:s22] =	dma.local [hbm:s5], s20  }
0x9e: {  	_ =	swait.ge [sflag:s22], s20  }
0x9f: {  	s4 =	ssub.s32 $0x0, s20;
	[sflag:s22] =	ssyncset.done $0x0  }
0xa0: {  	[sflag:s22] =	ssyncadd.s32 s4;
	_ =	sdelay $0x1  }
0xa1: {  	s23 =	simm.s32 $0x1B8B  }
0xa2: {  	_ =	swait.ge [sflag:s23], $0x1  }
0xa3: {  	[sflag:s23] =	ssyncset.done $0x0  }
0xa4: {  	s25 =	simm.s32 $0x1B8E;
	s24 =	sld [smem:$0x3FFE];
	[sflag:s23] =	ssyncadd.s32 $0xFFFFFFFF  }
0xa5: {  	s26 =	simm.s32 $execute0_lowered;
	[smem:$0x3FD2] =	sst s25  }
0xa6: {  	s5 =	sshll.u32 s26, $0x1;
	_ =	strace $0x80000046;
	[dreg:$0x1] =	wrdreg $0xFFFFFFFF  }
0xa7: {  	s28 =	simm.s32 $_size_execute0_lowered;
	s3 =	sadd.s32 s3, s5;
	[dreg:$0x0] =	wrdreg $0x0  }
0xa8: {  	s5 =	sshll.u32 s28, $0x1;
	[dreg:$0x2] =	wrdreg s3  }
0xa9: {  	[dreg:$0x3] =	wrdreg s5  }
0xaa: {  	[dreg:$0x4] =	wrdreg $0xC0  }
0xab: {  	_ =	task [dreg:s7], $0x5FFFF  }
0xac: {  	[dreg:$0x1] =	wrdreg $0xFFFFFFFF  }
0xad: {  	[dreg:$0x0] =	wrdreg $0x60  }
0xae: {  	[dreg:$0x2] =	wrdreg s24  }
0xaf: {  	[dreg:$0x3] =	wrdreg s2  }
0xb0: {  	[dreg:$0x4] =	wrdreg $0x9  }
0xb1: {  	_ =	task.clear_ibuf [dreg:s7], $0x5FFFF;
	_ =	strace $0x90000046  }
0xb2: {  	s29 =	simm.s32 $0x9;
	_ =	strace $0x80000048  }
0xb3: {  	_ =	swait.ge [sflag:s29], $0x1  }
0xb4: {  	[sflag:s29] =	ssyncadd.s32 $0xFFFFFFFF  }
0xb5: {  	_ =	strace $0x90000048  }
0xb6: {  	_ =	sfence  }
0xb7: {  	s30 =	sld [smem:$0x0];
	_ =	sdelay $0x2  }
0xb8: {  	s31 =	sshll.u32 s1, $0xD;
	s1 =	sshrl.u32 s1, $0x2  }
0xb9: {  	s3 =	sand.u32 $0x4000, s31;
	s1 =	sadd.s32 s1, s30  }
0xba: {  	s0 =	sor.u32 s3, s0;
	s1 =	sshll.u32 s1, $0x11  }
0xbb: {  	s0 =	sor.u32 s1, s0  }
0xbc: {  	s0 =	sadd.s32 $0x8F2B, s0  }
0xbd: {  	[sflag:s0] =	ssyncadd.remote.s32 $0x1  }
0xbe: {  	_ =	sfence.sel $0xFFFF  }
0xbf: {  	[dreg:$0x0] =	wrdreg $0xFFFFFFFF;
	(pc) =	sbr.abs _section_cstart, $3  }
0xc0: {  	[dreg:$0x1] =	wrdreg $0xFFFFFFFF  }
0xc1: {  	_ =	task.clear_ibuf [dreg:s7], $0x2FFFF;
	_ =	strace $0x9FFFFFFF  }
0xc2: {  	(tm) =	ssettm $0x7FFFFFFF  }
0xc3: {  	_ =	shalt  }
tec
execute0_lowered:
.L_overlay_start_1:
0x0: {  	(tag) =	ssettag $0x1  }
0x1: {  	s3 =	rddreg [dreg:$0x0]  }
0x2: {  	s4 =	rddreg [dreg:$0x1]  }
0x3: {  	s0 =	rddreg [dreg:$0x2];
	s2 =	simm.s32 $0x0;
	s1 =	stileid.u32  }
0x4: {  	s5 =	srdreg.scid;
	s12 =	simm.s32 $0x800;
	s13 =	simm.s32 $0x1000  }
0x5: {  	s14 =	simm.s32 $0x1800;
	s15 =	simm.s32 $0x2000;
	s16 =	simm.s32 $0x2800  }
0x6: {  	s17 =	simm.s32 $0x0;
	[smem:$0x7FF] =	sst s2;
	s6 =	sshll.u32 s1, $0x7  }
0x7: {  	s5 =	sand.u32 $0x1, s5;
	s7 =	sshll.u32 s1, $0x1;
	_ =	strace $0x80000047  }
0x8: {  	s6 =	sand.u32 $0x700, s6;
	s7 =	sor.u32 s5, s7;
	s5 =	ssub.s32 $0x2, s5  }
0x9: {  	s8 =	sadd.s32 s6, s3;
	s9 =	sshll.u32 s7, $0xD;
	s10 =	sshrl.u32 s5, $0x1  }
0xa: {  	s4 =	sadd.s32 s4, s6;
	s11 =	sshll.u32 s7, $0x9;
	s9 =	sadd.s32 s9, s3  }
0xb: {  	v0 =	vlaneseq.u32;
	vm0 =	vcmask $0x704;
	vm1 =	vcmask $0xB08;
	s10 =	ssub.s32 s5, s10;
	s3 =	sadd.s32 $0x800, s8;
	s5 =	sadd.s32 $0x2000, s8  }
0xc: {  	vm2 =	vcmask $0xF0C;
	vm3 =	vcmask $0x1310;
	vm4 =	vcmask $0x1714;
	s6 =	sadd.s32 $0x1800, s8;
	s7 =	sadd.s32 $0x1000, s8;
	s8 =	sand.u32 $0x600, s11  }
0xd: {  	vm5 =	vcmask $0x1B18;
	vm6 =	vcmask $0x1F1C;
	vm7 =	vcmask $0x2320;
	s11 =	simm.s32 $0x1;
	s9 =	sadd.s32 $0x2800, s9;
	s10 =	smax.u32 s10, $0x1  }
.LBB2_1:
0xe: {  	[tilespmem:s2], [sflag:$0x1] =	stream.linear.gather [hbm4b:s3+s2], $0x800, $0x38;
	[tilespmem:$0x12800] =	vst v63  }
0xf: {  	_ =	swait.ge [sflag:s11], $0x800  }
0x10: {  	[sflag:s11] =	ssyncset.done $0x0  }
0x11: {  	[sflag:s11] =	ssyncadd.s32 $0xFFFFF800  }
0x12: {  	[tilespmem:s12], [sflag:$0x1] =	stream.linear.gather [hbm4b:s4+s2], $0x800, $0x38;
	[tilespmem:$0x12800] =	vst v63  }
0x13: {  	_ =	swait.ge [sflag:s11], $0x800  }
0x14: {  	[sflag:s11] =	ssyncset.done $0x0  }
0x15: {  	[sflag:s11] =	ssyncadd.s32 $0xFFFFF800  }
0x16: {  	[tilespmem:s13], [sflag:$0x1] =	stream.linear.gather [hbm4b:s5+s2], $0x800, $0x38;
	[tilespmem:$0x12800] =	vst v63  }
0x17: {  	_ =	swait.ge [sflag:s11], $0x800  }
0x18: {  	[sflag:s11] =	ssyncset.done $0x0  }
0x19: {  	[sflag:s11] =	ssyncadd.s32 $0xFFFFF800  }
0x1a: {  	[tilespmem:s14], [sflag:$0x1] =	stream.linear.gather [hbm4b:s6+s2], $0x800, $0x38;
	[tilespmem:$0x12800] =	vst v63  }
0x1b: {  	_ =	swait.ge [sflag:s11], $0x800  }
0x1c: {  	[sflag:s11] =	ssyncset.done $0x0  }
0x1d: {  	[sflag:s11] =	ssyncadd.s32 $0xFFFFF800  }
0x1e: {  	[tilespmem:s15], [sflag:$0x1] =	stream.linear.gather [hbm4b:s7+s2], $0x800, $0x38;
	[tilespmem:$0x12800] =	vst v63  }
0x1f: {  	_ =	swait.ge [sflag:s11], $0x800  }
0x20: {  	[sflag:s11] =	ssyncset.done $0x0  }
0x21: {  	s18 =	simm.s32 $0x0;
	[sflag:s11] =	ssyncadd.s32 $0xFFFFF800  }
.LBB2_2:
0x22: {  	s20 =	simm.s32 $0x880  }
0x23: {  	v5 =	vld [tilespmem:s20+$0xFFFFFFF0]  }
0x24: {  	v6 =	vld [tilespmem:s20+$0xFFFFFFE0]  }
0x25: {  	s19 =	sor.u32 s8, s18;
	v8 =	vld [tilespmem:s20+$0xFFFFFFD0]  }
0x26: {  	v2 =	vmov s19;
	v10 =	vld [tilespmem:s20+$0xFFFFFFC0]  }
0x27: {  	v12 =	vld [tilespmem:s20+$0xFFFFFFB0]  }
0x28: {  	s19 =	simm.s32 $0x80;
	v14 =	vld [tilespmem:s20+$0xFFFFFFA0]  }
0x29: {  	v3 =	vld [tilespmem:s19+$0x0]  }
0x2a: {  	v4 =	vld [tilespmem:s19+$0xFFFFFFF0]  }
0x2b: {  	v1 =	vld.idx.msk [tilespmem:v2+s2+$0x0], $0xffff  }
0x2c: {  	v2 =	vld.idx.msk [tilespmem:v2+s12+$0x0], $0xffff  }
0x2d: {  	v7 =	vld [tilespmem:s19+$0xFFFFFFE0]  }
0x2e: {  	v9 =	vld [tilespmem:s19+$0xFFFFFFD0]  }
0x2f: {  	v11 =	vld [tilespmem:s19+$0xFFFFFFC0]  }
0x30: {  	v15 =	vld [tilespmem:s19+$0xFFFFFFA0];
	v3 =	vsub.f32 v3, v1;
	v4 =	vsub.f32 v4, v1  }
0x31: {  	v16 =	vld [tilespmem:s20+$0xFFFFFF90];
	v5 =	vsub.f32 v5, v2;
	v6 =	vsub.f32 v6, v2  }
0x32: {  	v17 =	vld [tilespmem:s20+$0xFFFFFF80];
	v7 =	vsub.f32 v7, v1;
	v8 =	vsub.f32 v8, v2  }
0x33: {  	s21 =	simm.s32 $0x70;
	v9 =	vsub.f32 v9, v1;
	v10 =	vsub.f32 v10, v2  }
0x34: {  	v18 =	vor.u32 s21, v0;
	v13 =	vld [tilespmem:s19+$0xFFFFFFB0];
	v11 =	vsub.f32 v11, v1;
	v12 =	vsub.f32 v12, v2  }
0x35: {  	v14 =	vsub.f32 v14, v2;
	v15 =	vsub.f32 v15, v1;
	v4 =	vmul.f32 v4, v4  }
0x36: {  	v19 =	vld [tilespmem:s20+$0x0];
	v16 =	vsub.f32 v16, v2;
	v5 =	vmul.f32 v5, v5;
	v6 =	vmul.f32 v6, v6  }
0x37: {  	v20 =	vld [tilespmem:s19+$0x10];
	v17 =	vsub.f32 v17, v2;
	v7 =	vmul.f32 v7, v7;
	v8 =	vmul.f32 v8, v8  }
0x38: {  	v9 =	vmul.f32 v9, v9;
	v3 =	vmul.f32 v3, v3;
	v4 =	vadd.f32 v5, v4;
	v5 =	vld [tilespmem:s19+$0xFFFFFF90]  }
0x39: {  	v11 =	vmul.f32 v11, v11;
	v6 =	vadd.f32 v6, v7;
	v7 =	vsub.f32 v13, v1;
	v13 =	vld [tilespmem:s19+$0xFFFFFF80]  }
0x3a: {  	s23 =	simm.s32 $0x50;
	v10 =	vmul.f32 v10, v10;
	v12 =	vmul.f32 v12, v12;
	v8 =	vadd.f32 v8, v9  }
0x3b: {  	v17 =	vmul.f32 v17, v17;
	v7 =	vmul.f32 v7, v7;
	(xrf1) =	vsort.dscd.msk.f32 $0xffff, v4, v18;
	v4 =	vor.u32 s23, v0;
	v18 =	vld [tilespmem:s20+$0x10]  }
0x3c: {  	v10 =	vadd.f32 v10, v11;
	(xrf1) =	vsort.dscd.msk.f32 $0xffff, v8, v4;
	v4 =	vsub.f32 v20, v1  }
0x3d: {  	s24 =	simm.s32 $0x30;
	v11 =	vmul.f32 v14, v14;
	v9 =	vld [tilespmem:s19+$0x20];
	v7 =	vadd.f32 v12, v7;
	v12 =	vsub.f32 v19, v2  }
0x3e: {  	s22 =	simm.s32 $0x40;
	v19 =	vor.u32 s24, v0;
	v5 =	vsub.f32 v5, v1;
	v13 =	vsub.f32 v13, v1  }
0x3f: {  	s25 =	simm.s32 $0x60;
	v14 =	vld [tilespmem:s20+$0x20];
	v8 =	vor.u32 s22, v0;
	v4 =	vmul.f32 v4, v4;
	(xrf1) =	vsort.dscd.msk.f32 $0xffff, v7, v19;
	v7 =	vmul.f32 v12, v12  }
0x40: {  	v12 =	vor.u32 s25, v0;
	v5 =	vmul.f32 v5, v5;
	v18 =	vsub.f32 v18, v2;
	(xrf1) =	vsort.ascd.msk.f32 $0xffff, v10, v8  }
0x41: {  	v20 =	vld [tilespmem:s20+$0x30];
	v13 =	vmul.f32 v13, v13;
	v10 =	vmul.f32 v15, v15;
	(xrf1) =	vsort.ascd.msk.f32 $0xffff, v6, v12  }
0x42: {  	v19 =	vld [tilespmem:s19+$0x30];
	v3 =	vadd.f32 v7, v3;
	v7 =	vsub.f32 v9, v1;
	v6 =	vmul.f32 v18, v18  }
0x43: {  	s26 =	simm.s32 $0x0;
	v9 =	vmul.f32 v16, v16;
	v10 =	vadd.f32 v11, v10;
	v11 =	vadd.f32 v17, v13  }
0x44: {  	s28 =	simm.s32 $0x80;
	v8 =	vsub.f32 v14, v2;
	v4 =	vadd.f32 v6, v4;
	v6 =	vor.u32 s26, v0  }
0x45: {  	s29 =	simm.s32 $0x90;
	v12 =	vor.u32 s28, v0;
	v13 =	vld [tilespmem:s20+$0x60];
	v7 =	vmul.f32 v7, v7;
	v5 =	vadd.f32 v9, v5;
	(xrf1) =	vsort.ascd.msk.f32 $0xffff, v11, v6  }
0x46: {  	s30 =	simm.s32 $0x20;
	v9 =	vor.u32 s29, v0;
	v11 =	vsub.f32 v20, v2;
	(xrf1) =	vsort.ascd.msk.f32 $0xffff, v3, v12;
	v3 =	vmul.f32 v8, v8;
	v8 =	vld [tilespmem:s19+$0x60]  }
0x47: {  	s31 =	simm.s32 $0x10;
	v6 =	vsub.f32 v19, v1;
	v12 =	vor.u32 s30, v0;
	(xrf1) =	vsort.dscd.msk.f32 $0xffff, v4, v9;
	v9 =	vld [tilespmem:s20+$0x50]  }
0x48: {  	s23 =	simm.s32 $0xA0;
	v4 =	vmul.f32 v11, v11;
	v11 =	vor.u32 s31, v0;
	(xrf1) =	vsort.ascd.msk.f32 $0xffff, v10, v12;
	v3 =	vadd.f32 v3, v7;
	v7 =	vld [tilespmem:s19+$0x50]  }
0x49: {  	v6 =	vmul.f32 v6, v6;
	v10 =	vor.u32 s23, v0;
	(xrf1) =	vsort.dscd.msk.f32 $0xffff, v5, v11;
	v5 =	vld [tilespmem:s20+$0x40]  }
0x4a: {  	s24 =	simm.s32 $0xB0;
	(xrf1) =	vsort.ascd.msk.f32 $0xffff, v3, v10;
	v3 =	vld [tilespmem:s19+$0x40]  }
0x4b: {  	v4 =	vadd.f32 v4, v6;
	v6 =	vor.u32 s24, v0  }
0x4c: {  	v13 =	vsub.f32 v13, v2  }
0x4d: {  	v15 =	vld [tilespmem:s19+$0x70];
	v10, v11, _ =	vpop (xrf1);
	(xrf1) =	vsort.dscd.msk.f32 $0xffff, v4, v6;
	v8 =	vsub.f32 v8, v1  }
0x4e: {  	v18 =	vld [tilespmem:s20+$0x70];
	v13 =	vmul.f32 v13, v13;
	v9 =	vsub.f32 v9, v2;
	v7 =	vsub.f32 v7, v1  }
0x4f: {  	v4, v6, _ =	vpop (xrf1);
	v8 =	vmul.f32 v8, v8;
	v5 =	vsub.f32 v5, v2;
	v3 =	vsub.f32 v3, v1  }
0x50: {  	v12, v14, _ =	vpop (xrf1);
	v9 =	vmul.f32 v9, v9;
	v7 =	vmul.f32 v7, v7  }
0x51: {  	s25 =	simm.s32 $0xD0;
	v16, v17, _ =	vpop (xrf1);
	v8 =	vadd.f32 v13, v8;
	v5 =	vmul.f32 v5, v5;
	v3 =	vmul.f32 v3, v3  }
0x52: {  	v19, v20, _ =	vpop (xrf1);
	v7 =	vadd.f32 v9, v7;
	v9 =	vsub.f32 v15, v1;
	v15 =	vor.u32 s25, v0  }
0x53: {  	s26 =	simm.s32 $0xE0;
	v18 =	vsub.f32 v18, v2;
	vm8 =	vlt.f32 v10, v19  }
0x54: {  	v11 =	vsel vm8, v11, v20;
	v3 =	vadd.f32 v5, v3;
	v5 =	vor.u32 s26, v0  }
0x55: {  	s20 =	simm.s32 $0x980;
	v10 =	vsel vm8, v10, v19;
	v13, v21, _ =	vpop (xrf1)  }
0x56: {  	v18 =	vmul.f32 v18, v18;
	v23 =	vld [tilespmem:s20+$0xFFFFFFF0];
	(xrf1) =	vsort.dscd.msk.f32 $0xffff, v7, v15;
	v7, v15, _ =	vpop (xrf1)  }
0x57: {  	s28 =	simm.s32 $0xC0;
	s19 =	simm.s32 $0x180;
	v25 =	vld [tilespmem:s20+$0xFFFFFFD0];
	vm8 =	vlt.f32 v4, v16;
	v9 =	vmul.f32 v9, v9;
	(xrf1) =	vsort.ascd.msk.f32 $0xffff, v8, v5;
	v5, v8, _ =	vpop (xrf1)  }
0x58: {  	s29 =	simm.s32 $0xF0;
	v24 =	vld [tilespmem:s19+$0xFFFFFFE0];
	v20 =	vor.u32 s28, v0;
	v16 =	vsel vm8, v4, v16;
	(xrf1) =	vsort.dscd.msk.f32 $0xffff, v10, v11;
	v10, v11, _ =	vpop (xrf1)  }
0x59: {  	v26 =	vor.u32 s29, v0;
	v19 =	vld [tilespmem:s19+$0xFFFFFFF0];
	v9 =	vadd.f32 v18, v9;
	(xrf1) =	vsort.ascd.msk.f32 $0xffff, v3, v20;
	vm9 =	vlt.f32 v5, v7;
	v3, v4, _ =	vpop (xrf1)  }
0x5a: {  	v6 =	vsel vm8, v6, v17;
	v20 =	vld [tilespmem:s20+$0xFFFFFFE0];
	v5 =	vsel vm9, v5, v7;
	vm8 =	vlt.f32 v12, v10;
	v7, v17, _ =	vpop (xrf1)  }
0x5b: {  	v22 =	vld [tilespmem:s19+$0x0];
	v8 =	vsel vm9, v8, v15;
	v10 =	vsel vm8, v12, v10;
	v15, v18, _ =	vpop (xrf1);
	(xrf1) =	vsort.dscd.msk.f32 $0xffff, v9, v26  }
0x5c: {  	v9 =	vsel vm8, v14, v11;
	vm8 =	vlt.f32 v3, v13;
	vm9 =	vlt.f32 v15, v7  }
0x5d: {  	v12 =	vld [tilespmem:s19+$0xFFFFFFD0];
	v3 =	vsel vm8, v3, v13;
	v13 =	vsub.f32 v23, v2;
	v4 =	vsel vm8, v4, v21  }
0x5e: {  	v14 =	vld [tilespmem:s20+$0xFFFFFFC0];
	v21 =	vsub.f32 v24, v1;
	v11 =	vsel vm9, v18, v17;
	v17 =	vsub.f32 v19, v1  }
0x5f: {  	v23 =	vsub.f32 v25, v2;
	v7 =	vsel vm9, v15, v7;
	v19 =	vsub.f32 v20, v2;
	v20 =	vld [tilespmem:s20+$0xFFFFFFB0]  }
0x60: {  	v15 =	vsub.f32 v22, v1;
	v22 =	vld [tilespmem:s19+$0xFFFFFFB0];
	v13 =	vmul.f32 v13, v13;
	v17 =	vmul.f32 v17, v17  }
0x61: {  	v18 =	vld [tilespmem:s19+$0xFFFFFFC0];
	(xrf1) =	vsort.ascd.msk.f32 $0xffff, v3, v4;
	v21 =	vmul.f32 v21, v21;
	v23 =	vmul.f32 v23, v23  }
0x62: {  	(xrf1) =	vsort.dscd.msk.f32 $0xffff, v10, v9;
	v10 =	vld [tilespmem:s20+$0xFFFFFF90];
	v19 =	vmul.f32 v19, v19;
	v12 =	vsub.f32 v12, v1  }
0x63: {  	s30 =	simm.s32 $0x170;
	v15 =	vmul.f32 v15, v15;
	v14 =	vsub.f32 v14, v2;
	v13 =	vadd.f32 v13, v17  }
0x64: {  	v25 =	vld [tilespmem:s20+$0xFFFFFFA0];
	(xrf1) =	vsort.dscd.msk.f32 $0xffff, v7, v11;
	v19 =	vadd.f32 v19, v21;
	v21 =	vor.u32 s30, v0;
	v20 =	vsub.f32 v20, v2;
	v17, v24, _ =	vpop (xrf1)  }
0x65: {  	v12 =	vmul.f32 v12, v12;
	v9 =	vsub.f32 v22, v1;
	(xrf1) =	vsort.dscd.msk.f32 $0xffff, v13, v21;
	v13 =	vld [tilespmem:s20+$0xFFFFFF80];
	v26, v27, _ =	vpop (xrf1)  }
0x66: {  	v18 =	vsub.f32 v18, v1;
	v20 =	vmul.f32 v20, v20;
	(xrf1) =	vsort.ascd.msk.f32 $0xffff, v5, v8;
	v8 =	vld [tilespmem:s19+$0xFFFFFF80];
	v3, v4, _ =	vpop (xrf1)  }
0x67: {  	v10 =	vsub.f32 v10, v2;
	v9 =	vmul.f32 v9, v9;
	(xrf1) =	vsort.ascd.msk.f32 $0xffff, v16, v6;
	v16 =	vld [tilespmem:s20+$0x0];
	v7, v11, _ =	vpop (xrf1)  }
0x68: {  	v18 =	vmul.f32 v18, v18;
	v6 =	vadd.f32 v23, v12;
	vm8 =	vlt.f32 v17, v7  }
0x69: {  	v28 =	vld [tilespmem:s19+$0xFFFFFFA0];
	v10 =	vmul.f32 v10, v10;
	v9 =	vadd.f32 v20, v9;
	v5 =	vsel vm8, v24, v11  }
0x6a: {  	s31 =	simm.s32 $0x150;
	v22 =	vld [tilespmem:s19+$0xFFFFFF90];
	v7 =	vsel vm8, v17, v7;
	v11 =	vsub.f32 v25, v2;
	v13 =	vsub.f32 v13, v2  }
0x6b: {  	s22 =	simm.s32 $0x130;
	v12 =	vor.u32 s31, v0;
	v17, v20, _ =	vpop (xrf1);
	(xrf1) =	vsort.ascd.msk.f32 $0xffff, v7, v5;
	v5 =	vmul.f32 v14, v14;
	v7 =	vld [tilespmem:s19+$0x10];
	v8 =	vsub.f32 v8, v1  }
0x6c: {  	v14 =	vor.u32 s22, v0;
	vm8 =	vlt.f32 v17, v26;
	(xrf1) =	vsort.dscd.msk.f32 $0xffff, v6, v12;
	v6 =	vld [tilespmem:s20+$0x10];
	v16 =	vsub.f32 v16, v2  }
0x6d: {  	v12 =	vsel vm8, v20, v27;
	(xrf1) =	vsort.dscd.msk.f32 $0xffff, v9, v14;
	v9 =	vsel vm8, v17, v26  }
0x6e: {  	v13 =	vmul.f32 v13, v13;
	v14 =	vsub.f32 v28, v1;
	v20 =	vld [tilespmem:s19+$0x20];
	(xrf1) =	vsort.dscd.msk.f32 $0xffff, v9, v12  }
0x6f: {  	s23 =	simm.s32 $0x140;
	v17 =	vld [tilespmem:s20+$0x20];
	v5 =	vadd.f32 v5, v18;
	v8 =	vmul.f32 v8, v8;
	v16 =	vmul.f32 v16, v16  }
0x70: {  	v18 =	vld [tilespmem:s20+$0x30];
	v9 =	vsub.f32 v22, v1;
	v12 =	vor.u32 s23, v0;
	v14 =	vmul.f32 v14, v14  }
0x71: {  	s24 =	simm.s32 $0x160;
	v11 =	vmul.f32 v11, v11;
	v7 =	vsub.f32 v7, v1;
	v6 =	vsub.f32 v6, v2  }
0x72: {  	v25 =	vor.u32 s24, v0;
	v22, v23, _ =	vpop (xrf1);
	(xrf1) =	vsort.ascd.msk.f32 $0xffff, v5, v12;
	v8 =	vadd.f32 v13, v8;
	v15 =	vadd.f32 v16, v15  }
0x73: {  	s25 =	simm.s32 $0x100;
	v21 =	vld [tilespmem:s19+$0x30];
	v7 =	vmul.f32 v7, v7;
	v16, v24, _ =	vpop (xrf1);
	v20 =	vsub.f32 v20, v1;
	v6 =	vmul.f32 v6, v6  }
0x74: {  	s28 =	simm.s32 $0x190;
	v26 =	vor.u32 s25, v0;
	(xrf1) =	vsort.ascd.msk.f32 $0xffff, v19, v25;
	v11 =	vadd.f32 v11, v14;
	v17 =	vsub.f32 v17, v2;
	v5, v12, _ =	vpop (xrf1)  }
0x75: {  	s26 =	simm.s32 $0x180;
	v18 =	vsub.f32 v18, v2;
	v13, v14, _ =	vpop (xrf1);
	(xrf1) =	vsort.ascd.msk.f32 $0xffff, v8, v26;
	v8 =	vor.u32 s28, v0;
	v6 =	vadd.f32 v6, v7  }
0x76: {  	v9 =	vmul.f32 v9, v9;
	v19 =	vor.u32 s26, v0;
	v7 =	vmul.f32 v20, v20  }
0x77: {  	v20, v25, _ =	vpop (xrf1);
	(xrf1) =	vsort.ascd.msk.f32 $0xffff, v15, v19;
	v15 =	vmul.f32 v17, v17;
	v17 =	vmul.f32 v18, v18  }
0x78: {  	s29 =	simm.s32 $0x120;
	v21 =	vsub.f32 v21, v1;
	v9 =	vadd.f32 v10, v9;
	v18 =	vld [tilespmem:s20+$0x60];
	v26, v27, _ =	vpop (xrf1)  }
0x79: {  	v10 =	vor.u32 s29, v0;
	(xrf1) =	vsort.dscd.msk.f32 $0xffff, v6, v8;
	v6, v8, _ =	vpop (xrf1)  }
0x7a: {  	v30 =	vld [tilespmem:s20+$0x50];
	s30 =	simm.s32 $0x110;
	vm8 =	vlt.f32 v16, v22;
	(xrf1) =	vsort.ascd.msk.f32 $0xffff, v11, v10;
	v10 =	vmul.f32 v21, v21;
	v11, v19, _ =	vpop (xrf1)  }
0x7b: {  	v51 =	vld [tilespmem:s19+$0x60];
	s31 =	simm.s32 $0x1A0;
	v16 =	vsel vm8, v16, v22;
	v21 =	vor.u32 s30, v0;
	v7 =	vadd.f32 v15, v7;
	v15, v29, _ =	vpop (xrf1)  }
0x7c: {  	s22 =	simm.s32 $0x1B0;
	v22 =	vor.u32 s31, v0;
	vm9 =	vlt.f32 v5, v20;
	v10 =	vadd.f32 v17, v10;
	(xrf1) =	vsort.dscd.msk.f32 $0xffff, v9, v21;
	v21 =	vld [tilespmem:s19+$0x50];
	v9, v17, _ =	vpop (xrf1)  }
0x7d: {  	v31 =	vor.u32 s22, v0;
	(xrf1) =	vsort.ascd.msk.f32 $0xffff, v7, v22;
	v7 =	vld [tilespmem:s20+$0x40];
	v18 =	vsub.f32 v18, v2;
	vm10 =	vlt.f32 v9, v6  }
0x7e: {  	(xrf1) =	vsort.dscd.msk.f32 $0xffff, v10, v31;
	v10 =	vld [tilespmem:s19+$0x40];
	v6 =	vsel vm10, v9, v6;
	v8 =	vsel vm10, v17, v8  }
0x7f: {  	(xrf1) =	vsort.dscd.msk.f32 $0xffff, v6, v8;
	v6 =	vsel vm8, v24, v23;
	vm8 =	vlt.f32 v3, v26  }
0x80: {  	v5 =	vsel vm9, v5, v20;
	v18 =	vmul.f32 v18, v18;
	v4 =	vsel vm8, v4, v27  }
0x81: {  	v9 =	vsel vm9, v12, v25;
	v12 =	vld [tilespmem:s19+$0x70];
	v8 =	vsub.f32 v30, v2;
	v3 =	vsel vm8, v3, v26  }
0x82: {  	v17 =	vld [tilespmem:s20+$0x70];
	(xrf1) =	vsort.ascd.msk.f32 $0xffff, v5, v9;
	v5 =	vsub.f32 v51, v1;
	v9 =	vsub.f32 v21, v1  }
0x83: {  	v7 =	vsub.f32 v7, v2;
	(xrf1) =	vsort.ascd.msk.f32 $0xffff, v16, v6;
	v10 =	vsub.f32 v10, v1;
	v6, v16, _ =	vpop (xrf1)  }
0x84: {  	v8 =	vmul.f32 v8, v8;
	(xrf1) =	vsort.dscd.msk.f32 $0xffff, v3, v4;
	v5 =	vmul.f32 v5, v5;
	v3, v4, _ =	vpop (xrf1)  }
0x85: {  	v9 =	vmul.f32 v9, v9;
	v7 =	vmul.f32 v7, v7;
	vm8 =	vlt.f32 v11, v6;
	v20, v21, _ =	vpop (xrf1)  }
0x86: {  	v10 =	vmul.f32 v10, v10;
	v12 =	vsub.f32 v12, v1;
	v6 =	vsel vm8, v11, v6;
	v11, v22, _ =	vpop (xrf1)  }
0x87: {  	s20 =	simm.s32 $0x280;
	v17 =	vsub.f32 v17, v2;
	v16 =	vsel vm8, v19, v16;
	v8 =	vadd.f32 v8, v9;
	v19, v23, _ =	vpop (xrf1)  }
0x88: {  	s19 =	simm.s32 $0xA80;
	v26 =	vld [tilespmem:s20+$0xFFFFFFF0];
	v5 =	vadd.f32 v18, v5;
	vm9 =	vlt.f32 v13, v3;
	vm8 =	vlt.f32 v19, v11  }
0x89: {  	s23 =	simm.s32 $0x1D0;
	v7 =	vadd.f32 v7, v10;
	v4 =	vsel vm9, v14, v4;
	v14 =	vld [tilespmem:s19+$0xFFFFFFF0];
	v9 =	vsel vm8, v19, v11  }
0x8a: {  	s24 =	simm.s32 $0x1E0;
	v10, v24, _ =	vpop (xrf1);
	v11 =	vmul.f32 v12, v12;
	v12 =	vsel vm8, v23, v22;
	v23 =	vor.u32 s23, v0  }
0x8b: {  	v17 =	vmul.f32 v17, v17;
	vm10 =	vlt.f32 v15, v10;
	(xrf1) =	vsort.dscd.msk.f32 $0xffff, v8, v23;
	v8 =	vor.u32 s24, v0  }
0x8c: {  	v3 =	vsel vm9, v13, v3;
	v10 =	vsel vm10, v15, v10;
	v15, v19, _ =	vpop (xrf1)  }
0x8d: {  	s25 =	simm.s32 $0x1C0;
	v22 =	vsel vm10, v29, v24;
	v18, v24, _ =	vpop (xrf1);
	(xrf1) =	vsort.ascd.msk.f32 $0xffff, v5, v8;
	v11 =	vadd.f32 v17, v11  }
0x8e: {  	v25 =	vld [tilespmem:s20+$0x0];
	v27 =	vor.u32 s25, v0;
	v17 =	vsub.f32 v26, v1;
	v14 =	vsub.f32 v14, v2;
	(xrf1) =	vsort.dscd.msk.f32 $0xffff, v3, v4;
	v13, v23, _ =	vpop (xrf1)  }
0x8f: {  	(xrf1) =	vsort.ascd.msk.f32 $0xffff, v7, v27;
	v7 =	vld [tilespmem:s20+$0xFFFFFFE0];
	vm8 =	vlt.f32 v13, v18;
	v5, v8, _ =	vpop (xrf1)  }
0x90: {  	v27 =	vld [tilespmem:s20+$0xFFFFFFD0];
	v17 =	vmul.f32 v17, v17;
	v14 =	vmul.f32 v14, v14;
	v13 =	vsel vm8, v13, v18;
	v3, v4, _ =	vpop (xrf1)  }
0x91: {  	v18 =	vsel vm8, v23, v24;
	v23 =	vld [tilespmem:s19+$0xFFFFFFE0];
	vm8 =	vlt.f32 v15, v20;
	vm9 =	vlt.f32 v5, v3  }
0x92: {  	s26 =	simm.s32 $0x1F0;
	v14 =	vadd.f32 v14, v17;
	v17 =	vld [tilespmem:s19+$0xFFFFFF90];
	v3 =	vsel vm9, v5, v3;
	v4 =	vsel vm9, v8, v4  }
0x93: {  	v15 =	vsel vm8, v15, v20;
	v20 =	vld [tilespmem:s19+$0xFFFFFFD0];
	v5, v8, _ =	vpop (xrf1);
	(xrf1) =	vsort.dscd.msk.f32 $0xffff, v3, v4;
	v3 =	vor.u32 s26, v0  }
0x94: {  	v24 =	vsub.f32 v25, v1;
	v19 =	vsel vm8, v19, v21;
	v21, v25, _ =	vpop (xrf1);
	v4 =	vld [tilespmem:s19+$0xFFFFFFC0];
	(xrf1) =	vsort.dscd.msk.f32 $0xffff, v11, v3  }
0x95: {  	v7 =	vsub.f32 v7, v1;
	vm8 =	vlt.f32 v21, v5;
	v11 =	vld [tilespmem:s19+$0xFFFFFFB0]  }
0x96: {  	v8 =	vsel vm8, v25, v8;
	v25 =	vld [tilespmem:s20+$0xFFFFFFC0];
	v3 =	vsub.f32 v23, v2  }
0x97: {  	v5 =	vsel vm8, v21, v5;
	v21 =	vld [tilespmem:s20+$0xFFFFFFB0];
	v7 =	vmul.f32 v7, v7;
	v23 =	vmul.f32 v24, v24  }
0x98: {  	v17 =	vsub.f32 v17, v2;
	v20 =	vsub.f32 v20, v2;
	(xrf1) =	vsort.ascd.msk.f32 $0xffff, v5, v8  }
0x99: {  	v5 =	vld [tilespmem:s19+$0xFFFFFFA0];
	v8 =	vsub.f32 v27, v1;
	v3 =	vmul.f32 v3, v3;
	(xrf1) =	vsort.ascd.msk.f32 $0xffff, v15, v19  }
0x9a: {  	v17 =	vmul.f32 v17, v17;
	v4 =	vsub.f32 v4, v2;
	v19 =	vmul.f32 v20, v20  }
0x9b: {  	s28 =	simm.s32 $0x270;
	v24 =	vld [tilespmem:s20+$0xFFFFFF90];
	v8 =	vmul.f32 v8, v8;
	v11 =	vsub.f32 v11, v2;
	v3 =	vadd.f32 v3, v7  }
0x9c: {  	(xrf1) =	vsort.dscd.msk.f32 $0xffff, v10, v22;
	v7 =	vld [tilespmem:s19+$0xFFFFFF80];
	v20 =	vsub.f32 v25, v1;
	v25, v26, _ =	vpop (xrf1);
	v10 =	vsub.f32 v21, v1;
	v21 =	vor.u32 s28, v0  }
0x9d: {  	(xrf1) =	vsort.dscd.msk.f32 $0xffff, v13, v18;
	v4 =	vmul.f32 v4, v4;
	v8 =	vadd.f32 v19, v8;
	v22, v27, _ =	vpop (xrf1)  }
0x9e: {  	v53 =	vld [tilespmem:s19+$0x0];
	v5 =	vsub.f32 v5, v2;
	(xrf1) =	vsort.dscd.msk.f32 $0xffff, v14, v21;
	v11 =	vmul.f32 v11, v11;
	v14, v18, _ =	vpop (xrf1)  }
0x9f: {  	v13 =	vld [tilespmem:s20+$0xFFFFFF80];
	v20 =	vmul.f32 v20, v20;
	v10 =	vmul.f32 v10, v10;
	v21, v52, _ =	vpop (xrf1);
	(xrf1) =	vsort.ascd.msk.f32 $0xffff, v9, v12  }
0xa0: {  	v54 =	vld [tilespmem:s19+$0x20];
	v9 =	vsub.f32 v24, v1;
	vm8 =	vlt.f32 v25, v21;
	(xrf1) =	vsort.ascd.msk.f32 $0xffff, v6, v16  }
0xa1: {  	s29 =	simm.s32 $0x250;
	v15 =	vld [tilespmem:s20+$0xFFFFFFA0];
	v6 =	vsub.f32 v7, v2;
	v24 =	vsel vm8, v26, v52;
	v19 =	vsel vm8, v25, v21;
	v7, v16, _ =	vpop (xrf1)  }
0xa2: {  	s30 =	simm.s32 $0x230;
	v12 =	vld [tilespmem:s20+$0x10];
	v5 =	vmul.f32 v5, v5;
	v10 =	vadd.f32 v11, v10;
	v26 =	vor.u32 s29, v0;
	(xrf1) =	vsort.ascd.msk.f32 $0xffff, v19, v24;
	v21, v25, _ =	vpop (xrf1)  }
0xa3: {  	v4 =	vadd.f32 v4, v20;
	v20 =	vld [tilespmem:s19+$0x10];
	v19 =	vor.u32 s30, v0;
	(xrf1) =	vsort.dscd.msk.f32 $0xffff, v8, v26;
	vm8 =	vlt.f32 v21, v22  }
0xa4: {  	v13 =	vsub.f32 v13, v1;
	(xrf1) =	vsort.dscd.msk.f32 $0xffff, v10, v19;
	v10 =	vsel vm8, v21, v22  }
0xa5: {  	v11 =	vsub.f32 v53, v2;
	v9 =	vmul.f32 v9, v9;
	v24 =	vld [tilespmem:s20+$0x20];
	v8 =	vsel vm8, v25, v27  }
0xa6: {  	s31 =	simm.s32 $0x240;
	v15 =	vsub.f32 v15, v1;
	v13 =	vmul.f32 v13, v13;
	v6 =	vmul.f32 v6, v6  }
0xa7: {  	v11 =	vmul.f32 v11, v11;
	v12 =	vsub.f32 v12, v1;
	v19 =	vor.u32 s31, v0;
	(xrf1) =	vsort.dscd.msk.f32 $0xffff, v10, v8  }
0xa8: {  	v26 =	vsub.f32 v54, v2;
	v20 =	vsub.f32 v20, v2;
	v8, v10, _ =	vpop (xrf1);
	(xrf1) =	vsort.ascd.msk.f32 $0xffff, v4, v19;
	v19 =	vld [tilespmem:s19+$0x30]  }
0xa9: {  	v11 =	vadd.f32 v11, v23;
	v6 =	vadd.f32 v6, v13;
	v4 =	vmul.f32 v15, v15  }
0xaa: {  	s22 =	simm.s32 $0x260;
	v12 =	vmul.f32 v12, v12;
	v24 =	vsub.f32 v24, v1;
	v15 =	vmul.f32 v20, v20  }
0xab: {  	s23 =	simm.s32 $0x200;
	v21 =	vor.u32 s22, v0;
	v27 =	vld [tilespmem:s20+$0x30];
	v22, v25, _ =	vpop (xrf1);
	vm8 =	vlt.f32 v7, v8;
	v56 =	vadd.f32 v5, v4  }
0xac: {  	s25 =	simm.s32 $0x290;
	v57 =	vor.u32 s23, v0;
	v20, v23, _ =	vpop (xrf1);
	(xrf1) =	vsort.ascd.msk.f32 $0xffff, v3, v21;
	v3 =	vadd.f32 v15, v12;
	v12 =	vmul.f32 v24, v24  }
0xad: {  	s24 =	simm.s32 $0x280;
	v21 =	vor.u32 s25, v0;
	v7 =	vsel vm8, v7, v8;
	v13, v55, _ =	vpop (xrf1);
	v19 =	vsub.f32 v19, v2  }
0xae: {  	v15 =	vor.u32 s24, v0;
	v10 =	vsel vm8, v16, v10;
	vm9 =	vlt.f32 v20, v22;
	v5, v4, _ =	vpop (xrf1);
	(xrf1) =	vsort.ascd.msk.f32 $0xffff, v6, v57  }
0xaf: {  	v6 =	vadd.f32 v17, v9;
	v9 =	vsel vm9, v20, v22;
	v17, v20, _ =	vpop (xrf1);
	(xrf1) =	vsort.ascd.msk.f32 $0xffff, v11, v15  }
0xb0: {  	s26 =	simm.s32 $0x220;
	v22 =	vmul.f32 v26, v26;
	(xrf1) =	vsort.dscd.msk.f32 $0xffff, v3, v21;
	v3 =	vsub.f32 v27, v1  }
0xb1: {  	v11 =	vsel vm9, v23, v25;
	v15 =	vor.u32 s26, v0;
	vm9 =	vlt.f32 v13, v17;
	v8, v21, _ =	vpop (xrf1)  }
0xb2: {  	v24 =	vld [tilespmem:s20+$0x60];
	(xrf1) =	vsort.ascd.msk.f32 $0xffff, v56, v15;
	v15 =	vmul.f32 v19, v19;
	v3 =	vmul.f32 v3, v3;
	v16, v19, _ =	vpop (xrf1)  }
0xb3: {  	s28 =	simm.s32 $0x210;
	v23 =	vld [tilespmem:s19+$0x60];
	v12 =	vadd.f32 v22, v12;
	(xrf1) =	vsort.dscd.msk.f32 $0xffff, v7, v10;
	v10 =	vsel vm9, v13, v17;
	v13, v17, _ =	vpop (xrf1)  }
0xb4: {  	s29 =	simm.s32 $0x2A0;
	v22 =	vld [tilespmem:s19+$0x50];
	vm8 =	vlt.f32 v14, v8;
	v7 =	vor.u32 s28, v0;
	v3 =	vadd.f32 v15, v3;
	v26, v27, _ =	vpop (xrf1)  }
0xb5: {  	s30 =	simm.s32 $0x2B0;
	v25 =	vor.u32 s29, v0;
	v15 =	vld [tilespmem:s20+$0x50];
	(xrf1) =	vsort.dscd.msk.f32 $0xffff, v6, v7;
	v6 =	vsel vm9, v55, v20;
	v7 =	vsel vm8, v18, v21;
	v18, v20, _ =	vpop (xrf1)  }
0xb6: {  	v58 =	vld [tilespmem:s19+$0x40];
	v8 =	vsel vm8, v14, v8;
	v21 =	vor.u32 s30, v0;
	(xrf1) =	vsort.ascd.msk.f32 $0xffff, v12, v25;
	vm8 =	vlt.f32 v18, v16  }
0xb7: {  	v12 =	vld [tilespmem:s20+$0x40];
	(xrf1) =	vsort.dscd.msk.f32 $0xffff, v3, v21;
	v3 =	vsel vm8, v18, v16;
	v14 =	vsel vm8, v20, v19  }
0xb8: {  	v21 =	vld [tilespmem:s19+$0x70];
	v18 =	vsub.f32 v24, v1;
	v16, v19, _ =	vpop (xrf1);
	(xrf1) =	vsort.dscd.msk.f32 $0xffff, v3, v14  }
0xb9: {  	v20 =	vsub.f32 v22, v2;
	vm9 =	vlt.f32 v13, v16;
	(xrf1) =	vsort.ascd.msk.f32 $0xffff, v10, v6  }
0xba: {  	v22 =	vld [tilespmem:s20+$0x70];
	v6 =	vsub.f32 v15, v1;
	v10 =	vsub.f32 v23, v2;
	v3 =	vsel vm9, v13, v16  }
0xbb: {  	v59 =	vimm.s32 $0x0;
	v16, v15, _ =	vpop (xrf1);
	v23 =	vsub.f32 v58, v2;
	v24 =	vmul.f32 v18, v18;
	(xrf1) =	vsort.ascd.msk.f32 $0xffff, v9, v11  }
0xbc: {  	v9 =	vsub.f32 v12, v1;
	v12 =	vmul.f32 v20, v20;
	vm8 =	vlt.f32 v5, v16  }
0xbd: {  	v25 =	vimm.f32 $+Inf;
	v21 =	vsub.f32 v21, v2;
	v11 =	vmul.f32 v6, v6;
	v14, v13, _ =	vpop (xrf1);
	(xrf1) =	vsort.dscd.msk.f32 $0xffff, v8, v7  }
0xbe: {  	s31 =	simm.s32 $0x2D0;
	v20 =	vmul.f32 v10, v10;
	v18 =	vmul.f32 v23, v23;
	v6 =	vsel vm9, v17, v19;
	v10, v60, _ =	vpop (xrf1)  }
0xbf: {  	v7 =	vor.u32 s31, v0;
	v9 =	vmul.f32 v9, v9;
	v22 =	vsub.f32 v22, v1;
	v17, v19, _ =	vpop (xrf1)  }
0xc0: {  	v61 =	vadd.f32 v12, v11;
	v24 =	vadd.f32 v20, v24;
	vm9 =	vlt.f32 v17, v10  }
0xc1: {  	v20 =	vmul.f32 v21, v21;
	v18 =	vadd.f32 v18, v9;
	v11, v12, _ =	vpop (xrf1);
	v9 =	vsel vm9, v17, v10  }
0xc2: {  	v17 =	vmul.f32 v22, v22;
	vm10 =	vlt.f32 v26, v11;
	v10 =	vsel vm9, v19, v60;
	v63, v62, _ =	vpop (xrf1)  }
0xc3: {  	s21 =	simm.s32 $0x3F0;
	v11 =	vsel vm10, v26, v11;
	v12 =	vsel vm10, v27, v12;
	vm9 =	vlt.f32 v63, v25;
	v21, v19, _ =	vpop (xrf1)  }
0xc4: {  	s23 =	simm.s32 $0x2E0;
	s22 =	simm.s32 $0x380;
	s20 =	simm.s32 $0x2F0;
	(xrf1) =	vsort.dscd.msk.f32 $0xffff, v61, v7;
	v23, v22, _ =	vpop (xrf1);
	v8 =	vsel vm9, v63, v25;
	v7 =	vsel vm9, v62, v59  }
.LBB2_3:
0xc5: {  	p0 =	sne.s32 s21, $0x7F0  }
0xc6: {  	v25 =	vld [tilespmem:s22+$0x0];
	v26 =	vor.u32 s23, v0;
	v30 =	vsel vm8, v5, v16;
	s19 =	sadd.s32 $0x100, s19;
	v16, v27, _ =	vpop (xrf1);
	(xrf1) =	vsort.ascd.msk.f32 $0xffff, v8, v7;
	s23 =	smov.u32 s21;
	s21 =	sadd.s32 $0x100, s21  }
0xc7: {  	s24 =	sadd.s32 $0xFFFFFFD0, s20;
	v28 =	vsel vm8, v4, v15;
	v7 =	vld [tilespmem:s22+$0xFFFFFFF0];
	vm8 =	vlt.f32 v16, v23;
	(xrf1) =	vsort.ascd.msk.f32 $0xffff, v24, v26;
	v8, v15, _ =	vpop (xrf1)  }
0xc8: {  	v29 =	vor.u32 s24, v0;
	v24 =	vld [tilespmem:s19+$0xFFFFFFF0];
	v16 =	vsel vm8, v16, v23;
	v22 =	vsel vm8, v27, v22;
	(xrf1) =	vsort.dscd.msk.f32 $0xffff, v30, v28;
	v4, v5, _ =	vpop (xrf1)  }
0xc9: {  	vm8 =	vlt.f32 v21, v14;
	v23 =	vld [tilespmem:s19+$0xFFFFFFE0];
	(xrf1) =	vsort.ascd.msk.f32 $0xffff, v18, v29;
	vm9 =	vlt.f32 v8, v4  }
0xca: {  	v14 =	vsel vm8, v21, v14;
	v18 =	vld [tilespmem:s22+$0xFFFFFFE0];
	v4 =	vsel vm9, v8, v4;
	v5 =	vsel vm9, v15, v5;
	v8, v15, _ =	vpop (xrf1)  }
0xcb: {  	v13 =	vsel vm8, v19, v13;
	v21 =	vld [tilespmem:s19+$0xFFFFFFD0];
	v25 =	vsub.f32 v25, v1;
	v19, v26, _ =	vpop (xrf1);
	(xrf1) =	vsort.dscd.msk.f32 $0xffff, v4, v5  }
0xcc: {  	v5 =	vadd.f32 v20, v17;
	v17 =	vor.u32 s20, v0;
	s20 =	smov.u32 s23;
	v4 =	vld [tilespmem:s22+$0xFFFFFFD0];
	vm8 =	vlt.f32 v19, v8  }
0xcd: {  	v7 =	vsub.f32 v7, v1;
	v20 =	vld [tilespmem:s19+$0xFFFFFFC0];
	v24 =	vsub.f32 v24, v2;
	v15 =	vsel vm8, v26, v15  }
0xce: {  	v26 =	vld [tilespmem:s22+$0xFFFFFFC0];
	v23 =	vsub.f32 v23, v2;
	(xrf1) =	vsort.dscd.msk.f32 $0xffff, v5, v17;
	v5 =	vsel vm8, v19, v8  }
0xcf: {  	v7 =	vmul.f32 v7, v7;
	v8 =	vld [tilespmem:s19+$0xFFFFFFB0]  }
0xd0: {  	v17 =	vsub.f32 v18, v1;
	v18 =	vmul.f32 v24, v24;
	v24 =	vmul.f32 v25, v25  }
0xd1: {  	v19 =	vld [tilespmem:s22+$0xFFFFFFB0];
	v21 =	vsub.f32 v21, v2;
	v23 =	vmul.f32 v23, v23;
	(xrf1) =	vsort.ascd.msk.f32 $0xffff, v5, v15  }
0xd2: {  	s24 =	sadd.s32 $0xFFFFFF80, s20;
	v5 =	vld [tilespmem:s19+$0xFFFFFFA0];
	v4 =	vsub.f32 v4, v1;
	v15 =	vmul.f32 v17, v17;
	(xrf1) =	vsort.ascd.msk.f32 $0xffff, v14, v13  }
0xd3: {  	v31 =	vadd.f32 v18, v7;
	v13 =	vld [tilespmem:s22+$0xFFFFFFA0];
	v14 =	vsub.f32 v20, v2;
	v17 =	vmul.f32 v21, v21  }
0xd4: {  	v20 =	vld [tilespmem:s19+$0xFFFFFF90];
	v21 =	vsub.f32 v26, v1;
	v4 =	vmul.f32 v4, v4;
	v25, v26, _ =	vpop (xrf1);
	v28 =	vsub.f32 v8, v2  }
0xd5: {  	s23 =	sadd.s32 $0xFFFFFF70, s20;
	v15 =	vadd.f32 v23, v15;
	v23 =	vor.u32 s24, v0;
	v27 =	vld [tilespmem:s22+$0xFFFFFF90];
	(xrf1) =	vsort.dscd.msk.f32 $0xffff, v11, v12;
	v8, v7, _ =	vpop (xrf1)  }
0xd6: {  	v12 =	vld [tilespmem:s19+$0xFFFFFF80];
	v19 =	vsub.f32 v19, v1;
	v21 =	vmul.f32 v21, v21;
	v29, v30, _ =	vpop (xrf1);
	(xrf1) =	vsort.dscd.msk.f32 $0xffff, v16, v22  }
0xd7: {  	s24 =	sadd.s32 $0xFFFFFF60, s20;
	v14 =	vmul.f32 v14, v14;
	v16 =	vld [tilespmem:s22+$0xFFFFFF80];
	v5 =	vsub.f32 v5, v2;
	(xrf1) =	vsort.dscd.msk.f32 $0xffff, v31, v23;
	v11, v18, _ =	vpop (xrf1)  }
0xd8: {  	v22 =	vmul.f32 v28, v28;
	v13 =	vsub.f32 v13, v1;
	v19 =	vmul.f32 v19, v19;
	v23 =	vld [tilespmem:s22+$0x10];
	v28, v31, _ =	vpop (xrf1)  }
0xd9: {  	v33 =	vld [tilespmem:s19+$0x0]  }
0xda: {  	s25 =	sadd.s32 $0xFFFFFF50, s20;
	v32 =	vor.u32 s24, v0;
	v20 =	vsub.f32 v20, v2;
	vm8 =	vlt.f32 v25, v28;
	(xrf1) =	vsort.ascd.msk.f32 $0xffff, v9, v10  }
0xdb: {  	v9 =	vsub.f32 v27, v1;
	v10 =	vor.u32 s25, v0;
	v27 =	vld [tilespmem:s19+$0x10];
	v26 =	vsel vm8, v26, v31;
	(xrf1) =	vsort.ascd.msk.f32 $0xffff, v3, v6;
	v3, v6, _ =	vpop (xrf1)  }
0xdc: {  	v14 =	vadd.f32 v14, v21;
	v5 =	vmul.f32 v5, v5;
	v12 =	vsub.f32 v12, v2;
	v21 =	vld [tilespmem:s19+$0x20]  }
0xdd: {  	v4 =	vadd.f32 v17, v4;
	v25 =	vsel vm8, v25, v28;
	v16 =	vsub.f32 v16, v1;
	v17 =	vld [tilespmem:s22+$0x20]  }
0xde: {  	v19 =	vadd.f32 v22, v19;
	v22, v28, _ =	vpop (xrf1);
	(xrf1) =	vsort.ascd.msk.f32 $0xffff, v25, v26;
	v25 =	vsub.f32 v33, v2  }
0xdf: {  	v13 =	vmul.f32 v13, v13;
	v9 =	vmul.f32 v9, v9  }
0xe0: {  	s24 =	sadd.s32 $0xFFFFFF40, s20;
	v16 =	vmul.f32 v16, v16;
	vm8 =	vlt.f32 v22, v29;
	v25 =	vmul.f32 v25, v25  }
0xe1: {  	v34 =	vor.u32 s24, v0;
	v12 =	vmul.f32 v12, v12;
	v31 =	vld [tilespmem:s19+$0x30];
	(xrf1) =	vsort.dscd.msk.f32 $0xffff, v4, v32;
	v4 =	vsel vm8, v28, v30;
	v28, v30, _ =	vpop (xrf1)  }
0xe2: {  	v23 =	vsub.f32 v23, v1;
	v32 =	vor.u32 s23, v0;
	v33 =	vld [tilespmem:s22+$0x30];
	(xrf1) =	vsort.dscd.msk.f32 $0xffff, v19, v34;
	v19 =	vsel vm8, v22, v29;
	v22, v26, _ =	vpop (xrf1)  }
0xe3: {  	v20 =	vmul.f32 v20, v20;
	v27 =	vsub.f32 v27, v2;
	(xrf1) =	vsort.dscd.msk.f32 $0xffff, v19, v4  }
0xe4: {  	v29 =	vmul.f32 v23, v23;
	vm8 =	vlt.f32 v3, v28;
	v19 =	vsub.f32 v21, v2  }
0xe5: {  	v13 =	vadd.f32 v5, v13;
	v23 =	vmul.f32 v27, v27;
	v21 =	vadd.f32 v25, v24;
	v24, v25, _ =	vpop (xrf1)  }
0xe6: {  	v17 =	vsub.f32 v17, v1;
	(xrf1) =	vsort.ascd.msk.f32 $0xffff, v14, v10;
	vm9 =	vlt.f32 v24, v22;
	v10, v14, _ =	vpop (xrf1)  }
0xe7: {  	v9 =	vadd.f32 v20, v9;
	s23 =	sadd.s32 $0xFFFFFF10, s20;
	v23 =	vadd.f32 v23, v29;
	v5, v4, _ =	vpop (xrf1)  }
0xe8: {  	v12 =	vadd.f32 v12, v16;
	v29 =	vor.u32 s23, v0;
	s23 =	sadd.s32 $0xFFFFFF90, s20;
	v17 =	vmul.f32 v17, v17;
	(xrf1) =	vsort.ascd.msk.f32 $0xffff, v15, v32  }
0xe9: {  	v19 =	vmul.f32 v19, v19;
	v20 =	vsel vm9, v24, v22;
	v15 =	vor.u32 s23, v0;
	s23 =	sadd.s32 $0xFFFFFFA0, s20;
	v22, v24, _ =	vpop (xrf1)  }
0xea: {  	s24 =	sadd.s32 $0xFFFFFF30, s20;
	v27 =	vor.u32 s23, v0;
	(xrf1) =	vsort.ascd.msk.f32 $0xffff, v12, v29;
	v12 =	vsel vm9, v25, v26;
	vm9 =	vlt.f32 v10, v22;
	v16, v25, _ =	vpop (xrf1)  }
0xeb: {  	v31 =	vsub.f32 v31, v2;
	v32 =	vsub.f32 v33, v1;
	s23 =	sadd.s32 $0xFFFFFF20, s20;
	v26 =	vor.u32 s24, v0;
	(xrf1) =	vsort.ascd.msk.f32 $0xffff, v21, v15  }
0xec: {  	v15 =	vor.u32 s23, v0;
	v10 =	vsel vm9, v10, v22;
	v14 =	vsel vm9, v14, v24;
	(xrf1) =	vsort.dscd.msk.f32 $0xffff, v23, v27  }
0xed: {  	v3 =	vsel vm8, v3, v28;
	s23 =	sadd.s32 $0xFFFFFFB0, s20;
	v21 =	vmul.f32 v31, v31;
	vm9 =	vlt.f32 v11, v16;
	v22, v23, _ =	vpop (xrf1)  }
0xee: {  	v6 =	vsel vm8, v6, v30;
	v24 =	vor.u32 s23, v0;
	v27 =	vld [tilespmem:s19+$0x60];
	(xrf1) =	vsort.ascd.msk.f32 $0xffff, v13, v26  }
0xef: {  	v18 =	vsel vm9, v18, v25;
	s23 =	sadd.s32 $0xFFFFFFC0, s20;
	v13 =	vmul.f32 v32, v32;
	v26 =	vld [tilespmem:s22+$0x60];
	v28, v29, _ =	vpop (xrf1);
	(xrf1) =	vsort.dscd.msk.f32 $0xffff, v3, v6  }
0xf0: {  	v11 =	vsel vm9, v11, v16;
	v3 =	vadd.f32 v19, v17;
	v17 =	vor.u32 s23, v0;
	v6 =	vld [tilespmem:s19+$0x50];
	v19, v25, _ =	vpop (xrf1)  }
0xf1: {  	v13 =	vadd.f32 v21, v13;
	v16 =	vld [tilespmem:s22+$0x50];
	(xrf1) =	vsort.dscd.msk.f32 $0xffff, v9, v15;
	v9, v15, _ =	vpop (xrf1)  }
0xf2: {  	v21 =	vld [tilespmem:s19+$0x40];
	(xrf1) =	vsort.ascd.msk.f32 $0xffff, v3, v24;
	vm8 =	vlt.f32 v9, v22  }
0xf3: {  	v24 =	vld [tilespmem:s22+$0x40];
	(xrf1) =	vsort.dscd.msk.f32 $0xffff, v13, v17;
	v3 =	vsel vm8, v9, v22;
	v9 =	vsel vm8, v15, v23  }
0xf4: {  	v22 =	vsub.f32 v27, v2;
	v30 =	vsub.f32 v26, v1;
	v15, v17, _ =	vpop (xrf1);
	(xrf1) =	vsort.dscd.msk.f32 $0xffff, v3, v9  }
0xf5: {  	v6 =	vsub.f32 v6, v2;
	v9 =	vld [tilespmem:s19+$0x70];
	vm9 =	vlt.f32 v28, v15;
	(xrf1) =	vsort.ascd.msk.f32 $0xffff, v10, v14  }
0xf6: {  	v10 =	vsub.f32 v16, v1;
	v23 =	vld [tilespmem:s22+$0x70];
	v3 =	vsel vm9, v28, v15;
	v16, v15, _ =	vpop (xrf1)  }
0xf7: {  	v26 =	vmul.f32 v30, v30;
	v27 =	vsub.f32 v21, v2;
	(xrf1) =	vsort.ascd.msk.f32 $0xffff, v20, v12  }
0xf8: {  	v30 =	vsub.f32 v24, v1;
	v10 =	vmul.f32 v10, v10;
	v14, v13, _ =	vpop (xrf1);
	(xrf1) =	vsort.dscd.msk.f32 $0xffff, v11, v18  }
0xf9: {  	v31 =	vmul.f32 v6, v6;
	v20 =	vmul.f32 v22, v22;
	vm8 =	vlt.f32 v5, v16;
	v22, v24, _ =	vpop (xrf1)  }
0xfa: {  	v6 =	vsel vm9, v29, v17;
	v18 =	vmul.f32 v27, v27;
	v32 =	vmul.f32 v30, v30;
	v17, v21, _ =	vpop (xrf1)  }
0xfb: {  	v27 =	vsub.f32 v9, v2;
	v23 =	vsub.f32 v23, v1;
	vm9 =	vlt.f32 v17, v22  }
.Ltmp0:
0xfc: {  	v28 =	vadd.f32 v31, v10;
	v18 =	vadd.f32 v18, v32;
	v9 =	vsel vm9, v17, v22;
	v11, v12, _ =	vpop (xrf1);
	(pc) =	sbr.rel @p0 .LBB2_3-.Ltmp0, $4  }
0xfd: {  	v10 =	vsel vm9, v21, v24;
	v17 =	vmul.f32 v23, v23;
	vm10 =	vlt.f32 v19, v11;
	v29, v30, _ =	vpop (xrf1)  }
0xfe: {  	s23 =	sadd.s32 $0xFFFFFFE0, s20;
	v11 =	vsel vm10, v19, v11;
	v12 =	vsel vm10, v25, v12;
	vm9 =	vlt.f32 v29, v8  }
0xff: {  	v24 =	vadd.f32 v20, v26;
	v20 =	vmul.f32 v27, v27;
	v25 =	vor.u32 s23, v0;
	v21, v19, _ =	vpop (xrf1)  }
0x100: {  	s22 =	sadd.s32 $0x100, s22;
	s23 =	sadd.s32 $0xFFFFFFF0, s20;
	v8 =	vsel vm9, v29, v8;
	v7 =	vsel vm9, v30, v7;
	v23, v22, _ =	vpop (xrf1);
	(xrf1) =	vsort.dscd.msk.f32 $0xffff, v28, v25  }
0x101: {  	v1 =	vor.u32 s23, v0;
	v5 =	vsel vm8, v5, v16  }
0x102: {  	v4 =	vsel vm8, v4, v15  }
0x103: {  	(xrf1) =	vsort.ascd.msk.f32 $0xffff, v8, v7;
	v2, v53, _ =	vpop (xrf1)  }
0x104: {  	(xrf1) =	vsort.ascd.msk.f32 $0xffff, v24, v1;
	v1, v54, _ =	vpop (xrf1)  }
0x105: {  	s19 =	sadd.s32 $0xFFFFFFD0, s20;
	(xrf1) =	vsort.dscd.msk.f32 $0xffff, v5, v4;
	v4, v5, _ =	vpop (xrf1)  }
0x106: {  	v57 =	vadd.f32 v20, v17;
	v55 =	vor.u32 s19, v0;
	vm8 =	vlt.f32 v1, v4  }
0x107: {  	(xrf1) =	vsort.ascd.msk.f32 $0xffff, v18, v55;
	v1 =	vsel vm8, v1, v4;
	v56 =	vsel vm8, v54, v5  }
0x108: {  	(xrf1) =	vsort.dscd.msk.f32 $0xffff, v1, v56;
	v1 =	vor.u32 s20, v0  }
0x109: {  	(xrf1) =	vsort.dscd.msk.f32 $0xffff, v57, v1;
	_ =	sdelay $0x2  }
0x10a: {  	v1, v58, _ =	vpop (xrf1)  }
0x10b: {  	v60, v59, _ =	vpop (xrf1)  }
0x10c: {  	vm8 =	vlt.f32 v60, v1  }
0x10d: {  	vm9 =	vlt.f32 v21, v14;
	v4 =	vsel vm8, v59, v58  }
0x10e: {  	v14 =	vsel vm9, v21, v14;
	v1 =	vsel vm8, v60, v1  }
0x10f: {  	v13 =	vsel vm9, v19, v13;
	v62, v61, _ =	vpop (xrf1);
	vm8 =	vlt.f32 v2, v23  }
0x110: {  	v24, v63, _ =	vpop (xrf1);
	v7 =	vsel vm8, v53, v22  }
0x111: {  	(xrf1) =	vsort.ascd.msk.f32 $0xffff, v1, v4;
	v2 =	vsel vm8, v2, v23;
	v1, v4, _ =	vpop (xrf1)  }
0x112: {  	(xrf1) =	vsort.ascd.msk.f32 $0xffff, v14, v13;
	v13, v14, _ =	vpop (xrf1)  }
0x113: {  	(xrf1) =	vsort.dscd.msk.f32 $0xffff, v11, v12;
	v11, v12, _ =	vpop (xrf1)  }
0x114: {  	(xrf1) =	vsort.dscd.msk.f32 $0xffff, v2, v7;
	vm8 =	vlt.f32 v62, v11;
	v2, v7, _ =	vpop (xrf1)  }
0x115: {  	(xrf1) =	vsort.ascd.msk.f32 $0xffff, v9, v10;
	v25 =	vsel vm8, v61, v12;
	v26, v27, _ =	vpop (xrf1)  }
0x116: {  	(xrf1) =	vsort.ascd.msk.f32 $0xffff, v3, v6;
	v3 =	vsel vm8, v62, v11;
	vm8 =	vlt.f32 v26, v1  }
0x117: {  	(xrf1) =	vsort.ascd.msk.f32 $0xffff, v3, v25;
	v3 =	vsel vm8, v27, v4;
	v1 =	vsel vm8, v26, v1  }
0x118: {  	(xrf1) =	vsort.dscd.msk.f32 $0xffff, v1, v3;
	_ =	sdelay $0x6  }
0x119: {  	v1, v3, _ =	vpop (xrf1)  }
0x11a: {  	v29, v28, _ =	vpop (xrf1)  }
0x11b: {  	v30, v31, _ =	vpop (xrf1)  }
0x11c: {  	v32, v33, _ =	vpop (xrf1)  }
0x11d: {  	v35, v34, _ =	vpop (xrf1)  }
0x11e: {  	vm8 =	vlt.f32 v2, v1;
	v37, v36, _ =	vpop (xrf1)  }
0x11f: {  	v1 =	vsel vm8, v2, v1;
	v2 =	vsel vm8, v7, v3;
	v39, v38, _ =	vpop (xrf1)  }
0x120: {  	(xrf1) =	vsort.dscd.msk.f32 $0xffff, v1, v2;
	vm15 =	vlt.f32 v30, v29;
	v40, v41, _ =	vpop (xrf1)  }
0x121: {  	v3 =	vsel vm15, v30, v29;
	vm10 =	vlt.f32 v40, v39  }
0x122: {  	vm8 =	vlt.f32 v32, v35;
	v42 =	vsel vm10, v40, v39;
	v43 =	vsel vm10, v41, v38  }
0x123: {  	v1 =	vsel vm8, v32, v35;
	v2 =	vsel vm8, v33, v34;
	(xrf1) =	vsort.dscd.msk.f32 $0xffff, v42, v43  }
0x124: {  	v44 =	vsel vm15, v31, v28;
	vm8 =	vlt.f32 v13, v37;
	(xrf1) =	vsort.ascd.msk.f32 $0xffff, v1, v2  }
0x125: {  	v1 =	vsel vm8, v14, v36;
	v2 =	vsel vm8, v13, v37;
	(xrf1) =	vsort.ascd.msk.f32 $0xffff, v3, v44  }
0x126: {  	(xrf1) =	vsort.dscd.msk.f32 $0xffff, v2, v1;
	_ =	sdelay $0x7  }
0x127: {  	v1, v2, _ =	vpop (xrf1)  }
0x128: {  	vm8 =	vlt.f32 v1, v24  }
0x129: {  	v2 =	vsel vm8, v2, v63  }
0x12a: {  	v1 =	vsel vm8, v1, v24;
	v3, v4, _ =	vpop (xrf1)  }
0x12b: {  	v46, v45, _ =	vpop (xrf1)  }
0x12c: {  	v47, v48, _ =	vpop (xrf1)  }
0x12d: {  	(xrf1) =	vsort.ascd.msk.f32 $0xffff, v1, v2;
	vm8 =	vlt.f32 v3, v46;
	v1, v2, _ =	vpop (xrf1)  }
0x12e: {  	v3 =	vsel vm8, v3, v46;
	v4 =	vsel vm8, v4, v45;
	vm8 =	vlt.f32 v1, v47  }
0x12f: {  	(xrf1) =	vsort.dscd.msk.f32 $0xffff, v3, v4;
	v2 =	vsel vm8, v2, v48;
	v1 =	vsel vm8, v1, v47  }
0x130: {  	(xrf1) =	vsort.ascd.msk.f32 $0xffff, v1, v2;
	_ =	sdelay $0xb  }
0x131: {  	v1, v2, _ =	vpop (xrf1)  }
0x132: {  	v3, v4, _ =	vpop (xrf1)  }
0x133: {  	v50, v49, _ =	vpop (xrf1)  }
0x134: {  	vm8 =	vlt.f32 v3, v50  }
0x135: {  	v3 =	vsel vm8, v3, v50;
	v4 =	vsel vm8, v4, v49  }
0x136: {  	(xrf1) =	vsort.dscd.msk.f32 $0xffff, v3, v4;
	_ =	sdelay $0xd  }
0x137: {  	v3, v4, _ =	vpop (xrf1)  }
0x138: {  	vm8 =	vlt.f32 v3, v1  }
0x139: {  	v1 =	vsel vm8, v3, v1;
	v2 =	vsel vm8, v4, v2  }
0x13a: {  	(xrf1) =	vsort.ascd.msk.f32 $0xffff, v1, v2;
	_ =	sdelay $0xd  }
0x13b: {  	v1, v2, _ =	vpop (xrf1);
	_ =	sdelay $0x3  }
0x13c: {  	v1 =	vld.idx.msk [tilespmem:v2+s13+$0x0], $0xffff;
	_ =	sdelay $0x3  }
0x13d: {  	v3 =	vld.idx.msk [tilespmem:v2+s14+$0x0], $0xffff  }
0x13e: {  	(xrf2) =	vadd.scan.msk.f32 $0xffff, v1;
	_ =	sdelay $0x1  }
0x13f: {  	v2 =	vld.idx.msk [tilespmem:v2+s15+$0x0], $0xffff;
	_ =	sdelay $0x1  }
0x140: {  	(xrf2) =	vadd.scan.msk.f32 $0xffff, v3;
	_ =	sdelay $0x1  }
0x141: {  	v51 =	vmul.f32 v1, v1  }
0x142: {  	(xrf2) =	vadd.scan.msk.f32 $0xffff, v2  }
0x143: {  	v52 =	vmul.f32 v3, v3;
	(xrf2) =	vadd.scan.msk.f32 $0xffff, v51;
	_ =	sdelay $0x1  }
0x144: {  	v53 =	vmul.f32 v2, v2;
	(xrf2) =	vadd.scan.msk.f32 $0xffff, v52;
	v55, _, _ =	vpop (xrf2)  }
0x145: {  	v56 =	vbroadcast v55, $0xF  }
0x146: {  	vm8 =	vmmov $0x1;
	v54 =	vmul.f32 v3, v1;
	(xrf2) =	vadd.scan.msk.f32 $0xffff, v53  }
0x147: {  	v4 =	vnsel vm8, $0x0, v56  }
0x148: {  	v1 =	vmul.f32 v2, v1;
	v2 =	vmul.f32 v2, v3;
	v57, _, _ =	vpop (xrf2);
	(xrf2) =	vadd.scan.msk.f32 $0xffff, v54;
	v3 =	vadd.f32 $0.0e+00, v4  }
0x149: {  	v58 =	vbroadcast v57, $0xF;
	_ =	sdelay $0x1  }
0x14a: {  	v59, _, _ =	vpop (xrf2);
	(xrf2) =	vadd.scan.msk.f32 $0xffff, v1;
	v1 =	vnsel vm0, $0x0, v58  }
0x14b: {  	v4 =	vbroadcast v59, $0xF;
	v1 =	vadd.f32 v1, v3;
	v3, _, _ =	vpop (xrf2)  }
0x14c: {  	v3 =	vbroadcast v3, $0xF  }
0x14d: {  	(xrf2) =	vadd.scan.msk.f32 $0xffff, v2;
	v2 =	vnsel vm1, $0x0, v4;
	v60, _, _ =	vpop (xrf2)  }
0x14e: {  	v1 =	vadd.f32 v2, v1;
	v2 =	vnsel vm2, $0x0, v3;
	v3 =	vbroadcast v60, $0xF  }
0x14f: {  	v61, _, _ =	vpop (xrf2)  }
0x150: {  	v1 =	vadd.f32 v1, v2;
	v2 =	vnsel vm3, $0x0, v3;
	v3 =	vbroadcast v61, $0xF  }
0x151: {  	v62, _, _ =	vpop (xrf2)  }
0x152: {  	v1 =	vadd.f32 v1, v2;
	v2 =	vnsel vm4, $0x0, v3;
	v3 =	vbroadcast v62, $0xF;
	_ =	sdelay $0x1  }
0x153: {  	v1 =	vadd.f32 v1, v2;
	v2 =	vnsel vm5, $0x0, v3  }
0x154: {  	v63, _, _ =	vpop (xrf2)  }
0x155: {  	v3 =	vbroadcast v63, $0xF  }
0x156: {  	s31 =	sshll.u32 s18, $0x7;
	s18 =	sadd.s32 $0x1, s18;
	v1 =	vadd.f32 v1, v2;
	v2, _, _ =	vpop (xrf2)  }
0x157: {  	p0 =	sne.s32 s18, $0x200;
	v3 =	vnsel vm6, $0x0, v3;
	v2 =	vbroadcast v2, $0xF  }
.Ltmp1:
0x158: {  	v1 =	vadd.f32 v1, v3;
	(pc) =	sbr.rel @p0 .LBB2_2-.Ltmp1, $4  }
0x159: {  	v2 =	vnsel vm7, $0x0, v2  }
0x15a: {  	v1 =	vadd.f32 v1, v2  }
0x15b: {  	s19 =	sand.u32 $0x3FFFFF80, s31  }
0x15c: {  	[tilespmem:s19+$0x2800] =	vst v1  }
0x15d: {  	s17 =	sadd.s32 $0x1, s17  }
0x15e: {  	p0 =	sne.s32 s17, s10  }
.Ltmp2:
0x15f: {  	_ = 	snop;
	(pc) =	sbr.rel @p0 .LBB2_1-.Ltmp2, $4  }
0x160: {  	[hbm4b:s9+s2] =	stream.linear.scatter [tilespmem:s16], [sflag:$0x1], $0x10000, $0x38;
	[tilespmem:$0x12800] =	vst v63  }
0x161: {  	_ =	swait.ge [sflag:s11], $0x10000  }
0x162: {  	[sflag:s11] =	ssyncset.done $0x0  }
0x163: {  	[sflag:s11] =	ssyncadd.s32 $0xFFFF0000  }
0x164: {  	_ =	sfence.sel $0x180000  }
0x165: {  	[bflag:$0x0] =	sbarrier.arrive $0xFFFF  }
0x166: {  	p0 =	sne.s32 s1, $0x0;
	_ =	strace $0x90000047  }
0x167: {  	s0 =	sadd.s32 @!p0 $0x100000, s0;
	[bflag:$0x2] =	sbarrier.arrive $0xFFFF  }
0x168: {  	[sflag:s0] =	ssyncadd.tile.s32 @!p0 $0x1;
	_ =	shalt  }
.Lfunc_end2:
_tile_overlayer_lowered:
.L_overlay_start_2:
0x169: {  	(tag) =	ssettag $0x2  }
0x16a: {  	s0 =	rddreg [dreg:$0x0];
	s2 =	stileid.u32  }
0x16b: {  	s1 =	rddreg [dreg:$0x1];
	p0 =	sne.s32 s2, $0x0  }
0x16c: {  	s3 =	rddreg [dreg:$0x2];
	[bflag:$0x3] =	sbarrier.arrive $0xFFFF;
	s2 =	simm.s32 @!p0 $0x1C01  }
0x16d: {  	[timem:s3], [sflag:s2] =	dma.local @!p0 [hbm:s0], s1  }
0x16e: {  	s0 =	simm.s32 @!p0 $0x1  }
0x16f: {  	_ =	swait.ge @!p0 [sflag:s0], s1  }
0x170: {  	s1 =	ssub.s32 @!p0 $0x0, s1;
	[sflag:s0] =	ssyncset.done @!p0 $0x0  }
0x171: {  	[sflag:s0] =	ssyncadd.s32 @!p0 s1  }
0x172: {  	[bflag:$0x3] =	sbarrier.arrive $0xFFFF  }
0x173: {  	_ =	shalt  }

</sc_bundles>
